<compile_context>
chip_gen: v7x
topology: tpu7x:2x2x1
jax: 0.10.2.dev20260603
libtpu: 0.0.44.dev20260713+nightly
codegen_flags: <defaults>
</compile_context>

<pallas_src>
import functools

import jax
import jax.numpy as jnp
from jax import lax
from jax.experimental import pallas as pl
from jax.experimental.pallas import tpu as pltpu
from jax.experimental.pallas import tpu_sc as plsc

N = 10000
E = 320000
D = 128
EPS = 1e-5

NC = 2
NS = 16
NW = NC * NS

CH = 40
EPW = E // NW
NCHUNK = EPW // CH
RPT = 640
NP = NS * RPT
ZR = RPT // 5
CW = 16

_mesh = plsc.VectorSubcoreMesh(core_axis_name="c", subcore_axis_name="s")


@functools.partial(
    pl.kernel,
    out_type=(
        jax.ShapeDtypeStruct((NC, NP, D), jnp.float32),
        jax.ShapeDtypeStruct((NC, NP, CW), jnp.float32),
    ),
    mesh=_mesh,
    scratch_types=[
        pltpu.VMEM((EPW,), jnp.int32),
        pltpu.VMEM((NCHUNK, CH), jnp.int32),
        pltpu.VMEM((CH, D), jnp.float32),
        pltpu.VMEM((CH, D), jnp.float32),
        pltpu.VMEM((CH, CW), jnp.float32),
        pltpu.VMEM_SHARED((NP, D), jnp.float32),
        pltpu.VMEM_SHARED((NP, CW), jnp.float32),
        pltpu.SemaphoreType.DMA,
        pltpu.SemaphoreType.DMA,
    ],
    compiler_params=pltpu.CompilerParams(use_tc_tiling_on_sc=False),
)
def _sc_segment_sum(h_hbm, src_hbm, dst_hbm, zf_hbm, zc_hbm, on_hbm,
                    agg_out, cnt_out,
                    src_v, dst_v, rows0, rows1, ones_v,
                    acc_sh, cnt_sh, sem0, sem1):
    c = lax.axis_index("c")
    s = lax.axis_index("s")
    wid = s * NC + c

    pltpu.sync_copy(on_hbm, ones_v)
    pltpu.sync_copy(zf_hbm, acc_sh.at[pl.ds(s * RPT, RPT)])
    pltpu.sync_copy(zc_hbm, cnt_sh.at[pl.ds(s * RPT, RPT)])
    plsc.subcore_barrier()

    pltpu.sync_copy(src_hbm.at[pl.ds(wid * EPW, EPW)], src_v)
    pltpu.sync_copy(dst_hbm.at[wid], dst_v)

    pltpu.async_copy(h_hbm.at[src_v.at[pl.ds(0, CH)]], rows0, sem0)

    def body(j, carry):
        b0 = j * (2 * CH)
        pltpu.make_async_copy(h_hbm.at[src_v.at[pl.ds(b0, CH)]], rows0, sem0).wait()
        pltpu.async_copy(h_hbm.at[src_v.at[pl.ds(b0 + CH, CH)]], rows1, sem1)
        pltpu.sync_copy(rows0, acc_sh.at[dst_v.at[2 * j]], add=True)
        pltpu.sync_copy(ones_v, cnt_sh.at[dst_v.at[2 * j]], add=True)
        pltpu.make_async_copy(h_hbm.at[src_v.at[pl.ds(b0 + CH, CH)]], rows1, sem1).wait()

        @pl.when(j < (NCHUNK // 2) - 1)
        def _():
            pltpu.async_copy(h_hbm.at[src_v.at[pl.ds(b0 + 2 * CH, CH)]], rows0, sem0)

        pltpu.sync_copy(rows1, acc_sh.at[dst_v.at[2 * j + 1]], add=True)
        pltpu.sync_copy(ones_v, cnt_sh.at[dst_v.at[2 * j + 1]], add=True)
        return carry

    lax.fori_loop(0, NCHUNK // 2, body, 0)
    plsc.subcore_barrier()

    pltpu.sync_copy(acc_sh.at[pl.ds(s * RPT, RPT)], agg_out.at[c, pl.ds(s * RPT, RPT)])
    pltpu.sync_copy(cnt_sh.at[pl.ds(s * RPT, RPT)], cnt_out.at[c, pl.ds(s * RPT, RPT)])


BR = 1000


def _in_body(x_ref, w_ref, b_ref, s_ref, t_ref, o_ref):
    h = jnp.dot(x_ref[...], w_ref[...], preferred_element_type=jnp.float32)
    h = (h + b_ref[...]) * s_ref[...] + t_ref[...]
    o_ref[...] = jnp.maximum(h, 0.0)


def _tc_input_layer(x, W, b, s, t):
    return pl.pallas_call(
        _in_body,
        grid=(N // BR,),
        in_specs=[
            pl.BlockSpec((BR, D), lambda i: (i, 0)),
            pl.BlockSpec((D, D), lambda i: (0, 0)),
            pl.BlockSpec((1, D), lambda i: (0, 0)),
            pl.BlockSpec((1, D), lambda i: (0, 0)),
            pl.BlockSpec((1, D), lambda i: (0, 0)),
        ],
        out_specs=pl.BlockSpec((BR, D), lambda i: (i, 0)),
        out_shape=jax.ShapeDtypeStruct((N, D), jnp.float32),
    )(x, W, b, s, t)


def _sage_body(h_ref, agg_ref, cnt_ref, wn_ref, wr_ref, bb_ref, s_ref, t_ref, o_ref):
    a = agg_ref[0] + agg_ref[1]
    cnt = cnt_ref[0] + cnt_ref[1]
    inv = 1.0 / jnp.maximum(cnt[:, :1], 1.0)
    a = a * inv
    z = jnp.dot(a, wn_ref[...], preferred_element_type=jnp.float32)
    z = z + bb_ref[...]
    z = z + jnp.dot(h_ref[...], wr_ref[...], preferred_element_type=jnp.float32)
    z = z * s_ref[...] + t_ref[...]
    o_ref[...] = h_ref[...] + jnp.maximum(z, 0.0)


def _tc_sage_layer(h, agg, cnt, Wn, Wr, bb, s, t):
    return pl.pallas_call(
        _sage_body,
        grid=(N // BR,),
        in_specs=[
            pl.BlockSpec((BR, D), lambda i: (i, 0)),
            pl.BlockSpec((NC, BR, D), lambda i: (0, i, 0)),
            pl.BlockSpec((NC, BR, CW), lambda i: (0, i, 0)),
            pl.BlockSpec((D, D), lambda i: (0, 0)),
            pl.BlockSpec((D, D), lambda i: (0, 0)),
            pl.BlockSpec((1, D), lambda i: (0, 0)),
            pl.BlockSpec((1, D), lambda i: (0, 0)),
            pl.BlockSpec((1, D), lambda i: (0, 0)),
        ],
        out_specs=pl.BlockSpec((BR, D), lambda i: (i, 0)),
        out_shape=jax.ShapeDtypeStruct((N, D), jnp.float32),
    )(h, agg, cnt, Wn, Wr, bb, s, t)


def kernel(x, edge_index, W_in, b_in, g_in, be_in,
           Wn0, bb0, Wr0, g0, be0, Wn1, bb1, Wr1, g1, be1):
    bn_scale = 1.0 / jnp.sqrt(jnp.float32(1.0 + EPS))
    row = lambda v: v.reshape(1, D)
    s_in, t_in = row(g_in * bn_scale), row(be_in)
    s0, t0 = row(g0 * bn_scale), row(be0)
    s1, t1 = row(g1 * bn_scale), row(be1)

    src = edge_index[0]
    dst = edge_index[1].reshape(NW, NCHUNK, CH)
    zf = jnp.zeros((RPT, D), jnp.float32)
    zc = jnp.zeros((RPT, CW), jnp.float32)
    on = jnp.ones((CH, CW), jnp.float32)

    h = _tc_input_layer(x, W_in, row(b_in), s_in, t_in)

    agg0, cnt = _sc_segment_sum(h, src, dst, zf, zc, on)
    h = _tc_sage_layer(h, agg0, cnt, Wn0, Wr0, row(bb0), s0, t0)

    agg1, _ = _sc_segment_sum(h, src, dst, zf, zc, on)
    h = _tc_sage_layer(h, agg1, cnt, Wn1, Wr1, row(bb1), s1, t1)
    return h

# --- scband reference (transcript-rebuilt; emitter-appended) ---
"""Pipeline reference for scband-graph-sageencoder-62517543961152 (READ-ONLY COPY).

The authoritative reference and input builder live on the scoring server;
editing this copy changes nothing except your own understanding.
"""

import jax, jax.numpy as jnp
import numpy as np

N = 10000
E = 320000
D = 128
EPS = 1e-5


def setup_inputs(seed: int = 0):
    key = jax.random.key(seed)
    ks = jax.random.split(key, 12)
    s = 1.0 / np.sqrt(D)
    inp = {}
    inp["x"] = jax.random.normal(ks[0], (N, D), dtype=jnp.float32)
    inp["edge_index"] = jax.random.randint(ks[1], (2, E), 0, N, dtype=jnp.int32)
    inp["W_in"] = jax.random.normal(ks[2], (D, D), dtype=jnp.float32) * s
    inp["b_in"] = jnp.zeros((D,), dtype=jnp.float32)
    inp["g_in"] = jnp.ones((D,), dtype=jnp.float32)
    inp["be_in"] = jnp.zeros((D,), dtype=jnp.float32)
    inp["Wn0"] = jax.random.normal(ks[3], (D, D), dtype=jnp.float32) * s
    inp["bb0"] = jnp.zeros((D,), dtype=jnp.float32)
    inp["Wr0"] = jax.random.normal(ks[4], (D, D), dtype=jnp.float32) * s
    inp["g0"] = jnp.ones((D,), dtype=jnp.float32)
    inp["be0"] = jnp.zeros((D,), dtype=jnp.float32)
    inp["Wn1"] = jax.random.normal(ks[5], (D, D), dtype=jnp.float32) * s
    inp["bb1"] = jnp.zeros((D,), dtype=jnp.float32)
    inp["Wr1"] = jax.random.normal(ks[6], (D, D), dtype=jnp.float32) * s
    inp["g1"] = jnp.ones((D,), dtype=jnp.float32)
    inp["be1"] = jnp.zeros((D,), dtype=jnp.float32)
    return inp


def _bn_eval(h, g, b):
    # BatchNorm1d in eval mode with running_mean=0, running_var=1
    return h * (g / jnp.sqrt(1.0 + EPS)) + b


def _sage_layer(h, src, dst, Wn, bb, Wr):
    # mean aggregation of neighbor messages (src -> dst)
    msg = h[src]
    ssum = jax.ops.segment_sum(msg, dst, num_segments=N)
    cnt = jax.ops.segment_sum(jnp.ones((src.shape[0],), h.dtype), dst, num_segments=N)
    agg = ssum / jnp.clip(cnt, 1.0, None)[:, None]
    # PyG SAGEConv: lin_l(agg) + lin_r(x); lin_l has bias, lin_r does not
    return agg @ Wn + bb + h @ Wr


def reference(x, edge_index, W_in, b_in, g_in, be_in, Wn0, bb0, Wr0, g0, be0, Wn1, bb1, Wr1, g1, be1):
    src = edge_index[0]
    dst = edge_index[1]
    h = x @ W_in + b_in
    h = jax.nn.relu(_bn_eval(h, g_in, be_in))
    # dropout is identity in eval mode
    for (Wn, bb, Wr, g, be) in ((Wn0, bb0, Wr0, g0, be0), (Wn1, bb1, Wr1, g1, be1)):
        h_new = _sage_layer(h, src, dst, Wn, bb, Wr)
        h_new = jax.nn.relu(_bn_eval(h_new, g, be))
        h = h + h_new
    return h

if __name__ == "__main__":
    import jax
    _d = setup_inputs()
    print(jax.jit(kernel)(*tuple(_d.values())))

</pallas_src>

<mosaic_0001>
#map = affine_map<(d0, d1) -> (0, 0)>
#map1 = affine_map<(d0, d1) -> (0)>
#map2 = affine_map<(d0, d1) -> (0, 0, 0)>
module attributes {stable_mosaic.version = 14 : i64} {
  func.func @_sc_segment_sum(%arg0: i32, %arg1: i32, %arg2: memref<10000x128xf32, #tpu.memory_space<hbm>>, %arg3: memref<320000xi32, #tpu.memory_space<hbm>>, %arg4: memref<32x250x40xi32, #tpu.memory_space<hbm>>, %arg5: memref<640x128xf32, #tpu.memory_space<hbm>>, %arg6: memref<640x16xf32, #tpu.memory_space<hbm>>, %arg7: memref<40x16xf32, #tpu.memory_space<hbm>>, %arg8: memref<2x10240x128xf32, #tpu.memory_space<hbm>>, %arg9: memref<2x10240x16xf32, #tpu.memory_space<hbm>>, %arg10: memref<10000xi32, #tpu.memory_space<vmem>>, %arg11: memref<250x40xi32, #tpu.memory_space<vmem>>, %arg12: memref<40x128xf32, #tpu.memory_space<vmem>>, %arg13: memref<40x128xf32, #tpu.memory_space<vmem>>, %arg14: memref<40x16xf32, #tpu.memory_space<vmem>>, %arg15: memref<10240x128xf32, #tpu.memory_space<vmem_shared>>, %arg16: memref<10240x16xf32, #tpu.memory_space<vmem_shared>>, %arg17: memref<!tpu.dma_semaphore, #tpu.memory_space<semaphore_mem>>, %arg18: memref<!tpu.dma_semaphore, #tpu.memory_space<semaphore_mem>>) attributes {dimension_semantics = [#tpu.dimension_semantics<core_parallel>, #tpu.dimension_semantics<subcore_parallel>], iteration_bounds = array<i64: 2, 16>, scalar_prefetch = 0 : i64, scratch_operands = 9 : i64, tpu.core_type = #tpu.core_type<sc_vector_subcore>, window_params = [{transform_indices = #map}, {transform_indices = #map1}, {transform_indices = #map2}, {transform_indices = #map}, {transform_indices = #map}, {transform_indices = #map}, {transform_indices = #map2}, {transform_indices = #map2}]} {
    %mul3A = arith.constant 2 : i32
    %mul3A_0 = arith.muli %arg1, %mul3A : i32
    %add3A = arith.addi %mul3A_0, %arg0 : i32
    "tpu.region"() ({
      %run_scoped3A = tpu.sem_alloc : memref<!tpu.dma_semaphore, #tpu.memory_space<semaphore_mem>>
      tpu.enqueue_dma source(%arg7 : memref<40x16xf32, #tpu.memory_space<hbm>>) target(%arg14 : memref<40x16xf32, #tpu.memory_space<vmem>>) target_semaphore(%run_scoped3A : memref<!tpu.dma_semaphore, #tpu.memory_space<semaphore_mem>>)
      tpu.wait_dma2 semaphore(%run_scoped3A : memref<!tpu.dma_semaphore, #tpu.memory_space<semaphore_mem>>) src(%arg7 : memref<40x16xf32, #tpu.memory_space<hbm>>) dst(%arg14 : memref<40x16xf32, #tpu.memory_space<vmem>>)
      tpu.yield
    }) : () -> ()
    %mul3A_1 = arith.constant 640 : i32
    %mul3A_2 = arith.muli %arg1, %mul3A_1 : i32
    "tpu.region"() ({
      %run_scoped3A = tpu.sem_alloc : memref<!tpu.dma_semaphore, #tpu.memory_space<semaphore_mem>>
      %dma_start3A_25 = arith.constant 0 : i32
      %dma_start3A_26 = tpu.memref_slice %arg15[%mul3A_2, %dma_start3A_25] : memref<10240x128xf32, #tpu.memory_space<vmem_shared>> -> memref<640x128xf32, #tpu.memory_space<vmem_shared>>
      tpu.enqueue_dma source(%arg5 : memref<640x128xf32, #tpu.memory_space<hbm>>) target(%dma_start3A_26 : memref<640x128xf32, #tpu.memory_space<vmem_shared>>) target_semaphore(%run_scoped3A : memref<!tpu.dma_semaphore, #tpu.memory_space<semaphore_mem>>)
      %dma_wait3A = arith.constant 0 : i32
      %dma_wait3A_27 = tpu.memref_slice %arg15[%mul3A_2, %dma_wait3A] : memref<10240x128xf32, #tpu.memory_space<vmem_shared>> -> memref<640x128xf32, #tpu.memory_space<vmem_shared>>
      tpu.wait_dma2 semaphore(%run_scoped3A : memref<!tpu.dma_semaphore, #tpu.memory_space<semaphore_mem>>) src(%arg5 : memref<640x128xf32, #tpu.memory_space<hbm>>) dst(%dma_wait3A_27 : memref<640x128xf32, #tpu.memory_space<vmem_shared>>)
      tpu.yield
    }) : () -> ()
    %mul3A_3 = arith.constant 640 : i32
    %mul3A_4 = arith.muli %arg1, %mul3A_3 : i32
    "tpu.region"() ({
      %run_scoped3A = tpu.sem_alloc : memref<!tpu.dma_semaphore, #tpu.memory_space<semaphore_mem>>
      %dma_start3A_25 = arith.constant 0 : i32
      %dma_start3A_26 = tpu.memref_slice %arg16[%mul3A_4, %dma_start3A_25] : memref<10240x16xf32, #tpu.memory_space<vmem_shared>> -> memref<640x16xf32, #tpu.memory_space<vmem_shared>>
      tpu.enqueue_dma source(%arg6 : memref<640x16xf32, #tpu.memory_space<hbm>>) target(%dma_start3A_26 : memref<640x16xf32, #tpu.memory_space<vmem_shared>>) target_semaphore(%run_scoped3A : memref<!tpu.dma_semaphore, #tpu.memory_space<semaphore_mem>>)
      %dma_wait3A = arith.constant 0 : i32
      %dma_wait3A_27 = tpu.memref_slice %arg16[%mul3A_4, %dma_wait3A] : memref<10240x16xf32, #tpu.memory_space<vmem_shared>> -> memref<640x16xf32, #tpu.memory_space<vmem_shared>>
      tpu.wait_dma2 semaphore(%run_scoped3A : memref<!tpu.dma_semaphore, #tpu.memory_space<semaphore_mem>>) src(%arg6 : memref<640x16xf32, #tpu.memory_space<hbm>>) dst(%dma_wait3A_27 : memref<640x16xf32, #tpu.memory_space<vmem_shared>>)
      tpu.yield
    }) : () -> ()
    %barrier3A = arith.constant 0 : index
    tpu.barrier barrier_id(%barrier3A)
    %mul3A_5 = arith.constant 10000 : i32
    %mul3A_6 = arith.muli %add3A, %mul3A_5 : i32
    "tpu.region"() ({
      %run_scoped3A = tpu.sem_alloc : memref<!tpu.dma_semaphore, #tpu.memory_space<semaphore_mem>>
      %dma_start3A_25 = tpu.memref_slice %arg3[%mul3A_6] : memref<320000xi32, #tpu.memory_space<hbm>> -> memref<10000xi32, #tpu.memory_space<hbm>>
      %dma_start3A_26 = tpu.memref_slice %arg3[%mul3A_6] : memref<320000xi32, #tpu.memory_space<hbm>> -> memref<10000xi32, #tpu.memory_space<hbm>>
      tpu.enqueue_dma source(%dma_start3A_26 : memref<10000xi32, #tpu.memory_space<hbm>>) target(%arg10 : memref<10000xi32, #tpu.memory_space<vmem>>) target_semaphore(%run_scoped3A : memref<!tpu.dma_semaphore, #tpu.memory_space<semaphore_mem>>)
      %dma_wait3A = tpu.memref_slice %arg3[%mul3A_6] : memref<320000xi32, #tpu.memory_space<hbm>> -> memref<10000xi32, #tpu.memory_space<hbm>>
      %dma_wait3A_27 = tpu.memref_slice %arg3[%mul3A_6] : memref<320000xi32, #tpu.memory_space<hbm>> -> memref<10000xi32, #tpu.memory_space<hbm>>
      tpu.wait_dma2 semaphore(%run_scoped3A : memref<!tpu.dma_semaphore, #tpu.memory_space<semaphore_mem>>) src(%dma_wait3A_27 : memref<10000xi32, #tpu.memory_space<hbm>>) dst(%arg10 : memref<10000xi32, #tpu.memory_space<vmem>>)
      tpu.yield
    }) : () -> ()
    "tpu.region"() ({
      %run_scoped3A = tpu.sem_alloc : memref<!tpu.dma_semaphore, #tpu.memory_space<semaphore_mem>>
      %dma_start3A_25 = arith.constant 0 : i32
      %dma_start3A_26 = arith.constant 0 : i32
      %dma_start3A_27 = tpu.memref_slice %arg4[%add3A, %dma_start3A_25, %dma_start3A_26] : memref<32x250x40xi32, #tpu.memory_space<hbm>> -> memref<1x250x40xi32, #tpu.memory_space<hbm>>
      %dma_start3A_28 = tpu.memref_squeeze %dma_start3A_27 : memref<1x250x40xi32, #tpu.memory_space<hbm>> -> memref<250x40xi32, #tpu.memory_space<hbm>>
      %dma_start3A_29 = arith.constant 0 : i32
      %dma_start3A_30 = arith.constant 0 : i32
      %dma_start3A_31 = tpu.memref_slice %arg4[%add3A, %dma_start3A_29, %dma_start3A_30] : memref<32x250x40xi32, #tpu.memory_space<hbm>> -> memref<1x250x40xi32, #tpu.memory_space<hbm>>
      %dma_start3A_32 = tpu.memref_squeeze %dma_start3A_31 : memref<1x250x40xi32, #tpu.memory_space<hbm>> -> memref<250x40xi32, #tpu.memory_space<hbm>>
      tpu.enqueue_dma source(%dma_start3A_32 : memref<250x40xi32, #tpu.memory_space<hbm>>) target(%arg11 : memref<250x40xi32, #tpu.memory_space<vmem>>) target_semaphore(%run_scoped3A : memref<!tpu.dma_semaphore, #tpu.memory_space<semaphore_mem>>)
      %dma_wait3A = arith.constant 0 : i32
      %dma_wait3A_33 = arith.constant 0 : i32
      %dma_wait3A_34 = tpu.memref_slice %arg4[%add3A, %dma_wait3A, %dma_wait3A_33] : memref<32x250x40xi32, #tpu.memory_space<hbm>> -> memref<1x250x40xi32, #tpu.memory_space<hbm>>
      %dma_wait3A_35 = tpu.memref_squeeze %dma_wait3A_34 : memref<1x250x40xi32, #tpu.memory_space<hbm>> -> memref<250x40xi32, #tpu.memory_space<hbm>>
      %dma_wait3A_36 = arith.constant 0 : i32
      %dma_wait3A_37 = arith.constant 0 : i32
      %dma_wait3A_38 = tpu.memref_slice %arg4[%add3A, %dma_wait3A_36, %dma_wait3A_37] : memref<32x250x40xi32, #tpu.memory_space<hbm>> -> memref<1x250x40xi32, #tpu.memory_space<hbm>>
      %dma_wait3A_39 = tpu.memref_squeeze %dma_wait3A_38 : memref<1x250x40xi32, #tpu.memory_space<hbm>> -> memref<250x40xi32, #tpu.memory_space<hbm>>
      tpu.wait_dma2 semaphore(%run_scoped3A : memref<!tpu.dma_semaphore, #tpu.memory_space<semaphore_mem>>) src(%dma_wait3A_39 : memref<250x40xi32, #tpu.memory_space<hbm>>) dst(%arg11 : memref<250x40xi32, #tpu.memory_space<vmem>>)
      tpu.yield
    }) : () -> ()
    %dma_start3A = arith.constant 0 : i32
    %dma_start3A_7 = tpu.memref_slice %arg10[%dma_start3A] : memref<10000xi32, #tpu.memory_space<vmem>> -> memref<40xi32, #tpu.memory_space<vmem>>
    %dma_start3A_8 = arith.constant 0 : i32
    %dma_start3A_9 = arith.constant 0 : i32
    %dma_start3A_10 = tpu.memref_slice %arg2[%dma_start3A_8, %dma_start3A_9] : memref<10000x128xf32, #tpu.memory_space<hbm>> -> memref<10000x128xf32, #tpu.memory_space<hbm>>
    tpu.enqueue_indirect_dma source(%dma_start3A_10 : memref<10000x128xf32, #tpu.memory_space<hbm>>) target(%arg12 : memref<40x128xf32, #tpu.memory_space<vmem>>) offsets(%dma_start3A_7 : memref<40xi32, #tpu.memory_space<vmem>>) semaphore(%arg17 : memref<!tpu.dma_semaphore, #tpu.memory_space<semaphore_mem>>)
    %scan3A = arith.constant 0 : i32
    %scan3A_11 = arith.constant 0 : i32
    %scan3A_12 = arith.constant 125 : i32
    %scan3A_13 = arith.addi %scan3A_11, %scan3A_12 : i32
    %scan3A_14 = arith.constant 1 : i32
    scf.for %scan3A_25 = %scan3A_11 to %scan3A_13 step %scan3A_14  : i32 {
      %mul3A_26 = arith.constant 80 : i32
      %mul3A_27 = arith.muli %scan3A_25, %mul3A_26 : i32
      %dma_wait3A = tpu.memref_slice %arg10[%mul3A_27] : memref<10000xi32, #tpu.memory_space<vmem>> -> memref<40xi32, #tpu.memory_space<vmem>>
      %dma_wait3A_28 = arith.constant 0 : i32
      %dma_wait3A_29 = arith.constant 0 : i32
      %dma_wait3A_30 = tpu.memref_slice %arg2[%dma_wait3A_28, %dma_wait3A_29] : memref<10000x128xf32, #tpu.memory_space<hbm>> -> memref<10000x128xf32, #tpu.memory_space<hbm>>
      tpu.wait_indirect_dma semaphore(%arg17 : memref<!tpu.dma_semaphore, #tpu.memory_space<semaphore_mem>>) src(%dma_wait3A_30 : memref<10000x128xf32, #tpu.memory_space<hbm>>) dst(%arg12 : memref<40x128xf32, #tpu.memory_space<vmem>>)
      %add3A_31 = arith.constant 40 : i32
      %add3A_32 = arith.addi %mul3A_27, %add3A_31 : i32
      %dma_start3A_33 = tpu.memref_slice %arg10[%add3A_32] : memref<10000xi32, #tpu.memory_space<vmem>> -> memref<40xi32, #tpu.memory_space<vmem>>
      %dma_start3A_34 = arith.constant 0 : i32
      %dma_start3A_35 = arith.constant 0 : i32
      %dma_start3A_36 = tpu.memref_slice %arg2[%dma_start3A_34, %dma_start3A_35] : memref<10000x128xf32, #tpu.memory_space<hbm>> -> memref<10000x128xf32, #tpu.memory_space<hbm>>
      tpu.enqueue_indirect_dma source(%dma_start3A_36 : memref<10000x128xf32, #tpu.memory_space<hbm>>) target(%arg13 : memref<40x128xf32, #tpu.memory_space<vmem>>) offsets(%dma_start3A_33 : memref<40xi32, #tpu.memory_space<vmem>>) semaphore(%arg18 : memref<!tpu.dma_semaphore, #tpu.memory_space<semaphore_mem>>)
      %mul3A_37 = arith.constant 2 : i32
      %mul3A_38 = arith.muli %mul3A_37, %scan3A_25 : i32
      "tpu.region"() ({
        %run_scoped3A = tpu.sem_alloc : memref<!tpu.dma_semaphore, #tpu.memory_space<semaphore_mem>>
        %dma_start3A_57 = arith.constant 0 : i32
        %dma_start3A_58 = tpu.memref_slice %arg11[%mul3A_38, %dma_start3A_57] : memref<250x40xi32, #tpu.memory_space<vmem>> -> memref<1x40xi32, #tpu.memory_space<vmem>>
        %dma_start3A_59 = tpu.memref_squeeze %dma_start3A_58 : memref<1x40xi32, #tpu.memory_space<vmem>> -> memref<40xi32, #tpu.memory_space<vmem>>
        %dma_start3A_60 = arith.constant 0 : i32
        %dma_start3A_61 = arith.constant 0 : i32
        %dma_start3A_62 = tpu.memref_slice %arg15[%dma_start3A_60, %dma_start3A_61] : memref<10240x128xf32, #tpu.memory_space<vmem_shared>> -> memref<10240x128xf32, #tpu.memory_space<vmem_shared>>
        tpu.enqueue_indirect_dma source(%arg12 : memref<40x128xf32, #tpu.memory_space<vmem>>) target(%dma_start3A_62 : memref<10240x128xf32, #tpu.memory_space<vmem_shared>>) offsets(%dma_start3A_59 : memref<40xi32, #tpu.memory_space<vmem>>) semaphore(%run_scoped3A : memref<!tpu.dma_semaphore, #tpu.memory_space<semaphore_mem>>) {add = true}
        %dma_wait3A_63 = arith.constant 0 : i32
        %dma_wait3A_64 = tpu.memref_slice %arg11[%mul3A_38, %dma_wait3A_63] : memref<250x40xi32, #tpu.memory_space<vmem>> -> memref<1x40xi32, #tpu.memory_space<vmem>>
        %dma_wait3A_65 = tpu.memref_squeeze %dma_wait3A_64 : memref<1x40xi32, #tpu.memory_space<vmem>> -> memref<40xi32, #tpu.memory_space<vmem>>
        %dma_wait3A_66 = arith.constant 0 : i32
        %dma_wait3A_67 = arith.constant 0 : i32
        %dma_wait3A_68 = tpu.memref_slice %arg15[%dma_wait3A_66, %dma_wait3A_67] : memref<10240x128xf32, #tpu.memory_space<vmem_shared>> -> memref<10240x128xf32, #tpu.memory_space<vmem_shared>>
        tpu.wait_indirect_dma semaphore(%run_scoped3A : memref<!tpu.dma_semaphore, #tpu.memory_space<semaphore_mem>>) src(%arg12 : memref<40x128xf32, #tpu.memory_space<vmem>>) dst(%dma_wait3A_68 : memref<10240x128xf32, #tpu.memory_space<vmem_shared>>)
        tpu.yield
      }) : () -> ()
      %mul3A_39 = arith.constant 2 : i32
      %mul3A_40 = arith.muli %mul3A_39, %scan3A_25 : i32
      "tpu.region"() ({
        %run_scoped3A = tpu.sem_alloc : memref<!tpu.dma_semaphore, #tpu.memory_space<semaphore_mem>>
        %dma_start3A_57 = arith.constant 0 : i32
        %dma_start3A_58 = tpu.memref_slice %arg11[%mul3A_40, %dma_start3A_57] : memref<250x40xi32, #tpu.memory_space<vmem>> -> memref<1x40xi32, #tpu.memory_space<vmem>>
        %dma_start3A_59 = tpu.memref_squeeze %dma_start3A_58 : memref<1x40xi32, #tpu.memory_space<vmem>> -> memref<40xi32, #tpu.memory_space<vmem>>
        %dma_start3A_60 = arith.constant 0 : i32
        %dma_start3A_61 = arith.constant 0 : i32
        %dma_start3A_62 = tpu.memref_slice %arg16[%dma_start3A_60, %dma_start3A_61] : memref<10240x16xf32, #tpu.memory_space<vmem_shared>> -> memref<10240x16xf32, #tpu.memory_space<vmem_shared>>
        tpu.enqueue_indirect_dma source(%arg14 : memref<40x16xf32, #tpu.memory_space<vmem>>) target(%dma_start3A_62 : memref<10240x16xf32, #tpu.memory_space<vmem_shared>>) offsets(%dma_start3A_59 : memref<40xi32, #tpu.memory_space<vmem>>) semaphore(%run_scoped3A : memref<!tpu.dma_semaphore, #tpu.memory_space<semaphore_mem>>) {add = true}
        %dma_wait3A_63 = arith.constant 0 : i32
        %dma_wait3A_64 = tpu.memref_slice %arg11[%mul3A_40, %dma_wait3A_63] : memref<250x40xi32, #tpu.memory_space<vmem>> -> memref<1x40xi32, #tpu.memory_space<vmem>>
        %dma_wait3A_65 = tpu.memref_squeeze %dma_wait3A_64 : memref<1x40xi32, #tpu.memory_space<vmem>> -> memref<40xi32, #tpu.memory_space<vmem>>
        %dma_wait3A_66 = arith.constant 0 : i32
        %dma_wait3A_67 = arith.constant 0 : i32
        %dma_wait3A_68 = tpu.memref_slice %arg16[%dma_wait3A_66, %dma_wait3A_67] : memref<10240x16xf32, #tpu.memory_space<vmem_shared>> -> memref<10240x16xf32, #tpu.memory_space<vmem_shared>>
        tpu.wait_indirect_dma semaphore(%run_scoped3A : memref<!tpu.dma_semaphore, #tpu.memory_space<semaphore_mem>>) src(%arg14 : memref<40x16xf32, #tpu.memory_space<vmem>>) dst(%dma_wait3A_68 : memref<10240x16xf32, #tpu.memory_space<vmem_shared>>)
        tpu.yield
      }) : () -> ()
      %add3A_41 = arith.constant 40 : i32
      %add3A_42 = arith.addi %mul3A_27, %add3A_41 : i32
      %dma_wait3A_43 = tpu.memref_slice %arg10[%add3A_42] : memref<10000xi32, #tpu.memory_space<vmem>> -> memref<40xi32, #tpu.memory_space<vmem>>
      %dma_wait3A_44 = arith.constant 0 : i32
      %dma_wait3A_45 = arith.constant 0 : i32
      %dma_wait3A_46 = tpu.memref_slice %arg2[%dma_wait3A_44, %dma_wait3A_45] : memref<10000x128xf32, #tpu.memory_space<hbm>> -> memref<10000x128xf32, #tpu.memory_space<hbm>>
      tpu.wait_indirect_dma semaphore(%arg18 : memref<!tpu.dma_semaphore, #tpu.memory_space<semaphore_mem>>) src(%dma_wait3A_46 : memref<10000x128xf32, #tpu.memory_space<hbm>>) dst(%arg13 : memref<40x128xf32, #tpu.memory_space<vmem>>)
      %lt3A = arith.constant 124 : i32
      %lt3A_47 = arith.cmpi slt, %scan3A_25, %lt3A : i32
      %convert_element_type3A = arith.extui %lt3A_47 : i1 to i32
      %cond3A = arith.constant 0 : i32
      %cond3A_48 = arith.cmpi ne, %convert_element_type3A, %cond3A : i32
      scf.if %cond3A_48 {
        %add3A_57 = arith.constant 80 : i32
        %add3A_58 = arith.addi %mul3A_27, %add3A_57 : i32
        %dma_start3A_59 = tpu.memref_slice %arg10[%add3A_58] : memref<10000xi32, #tpu.memory_space<vmem>> -> memref<40xi32, #tpu.memory_space<vmem>>
        %dma_start3A_60 = arith.constant 0 : i32
        %dma_start3A_61 = arith.constant 0 : i32
        %dma_start3A_62 = tpu.memref_slice %arg2[%dma_start3A_60, %dma_start3A_61] : memref<10000x128xf32, #tpu.memory_space<hbm>> -> memref<10000x128xf32, #tpu.memory_space<hbm>>
        tpu.enqueue_indirect_dma source(%dma_start3A_62 : memref<10000x128xf32, #tpu.memory_space<hbm>>) target(%arg12 : memref<40x128xf32, #tpu.memory_space<vmem>>) offsets(%dma_start3A_59 : memref<40xi32, #tpu.memory_space<vmem>>) semaphore(%arg17 : memref<!tpu.dma_semaphore, #tpu.memory_space<semaphore_mem>>)
      } else {
      }
      %mul3A_49 = arith.constant 2 : i32
      %mul3A_50 = arith.muli %mul3A_49, %scan3A_25 : i32
      %add3A_51 = arith.constant 1 : i32
      %add3A_52 = arith.addi %mul3A_50, %add3A_51 : i32
      "tpu.region"() ({
        %run_scoped3A = tpu.sem_alloc : memref<!tpu.dma_semaphore, #tpu.memory_space<semaphore_mem>>
        %dma_start3A_57 = arith.constant 0 : i32
        %dma_start3A_58 = tpu.memref_slice %arg11[%add3A_52, %dma_start3A_57] : memref<250x40xi32, #tpu.memory_space<vmem>> -> memref<1x40xi32, #tpu.memory_space<vmem>>
        %dma_start3A_59 = tpu.memref_squeeze %dma_start3A_58 : memref<1x40xi32, #tpu.memory_space<vmem>> -> memref<40xi32, #tpu.memory_space<vmem>>
        %dma_start3A_60 = arith.constant 0 : i32
        %dma_start3A_61 = arith.constant 0 : i32
        %dma_start3A_62 = tpu.memref_slice %arg15[%dma_start3A_60, %dma_start3A_61] : memref<10240x128xf32, #tpu.memory_space<vmem_shared>> -> memref<10240x128xf32, #tpu.memory_space<vmem_shared>>
        tpu.enqueue_indirect_dma source(%arg13 : memref<40x128xf32, #tpu.memory_space<vmem>>) target(%dma_start3A_62 : memref<10240x128xf32, #tpu.memory_space<vmem_shared>>) offsets(%dma_start3A_59 : memref<40xi32, #tpu.memory_space<vmem>>) semaphore(%run_scoped3A : memref<!tpu.dma_semaphore, #tpu.memory_space<semaphore_mem>>) {add = true}
        %dma_wait3A_63 = arith.constant 0 : i32
        %dma_wait3A_64 = tpu.memref_slice %arg11[%add3A_52, %dma_wait3A_63] : memref<250x40xi32, #tpu.memory_space<vmem>> -> memref<1x40xi32, #tpu.memory_space<vmem>>
        %dma_wait3A_65 = tpu.memref_squeeze %dma_wait3A_64 : memref<1x40xi32, #tpu.memory_space<vmem>> -> memref<40xi32, #tpu.memory_space<vmem>>
        %dma_wait3A_66 = arith.constant 0 : i32
        %dma_wait3A_67 = arith.constant 0 : i32
        %dma_wait3A_68 = tpu.memref_slice %arg15[%dma_wait3A_66, %dma_wait3A_67] : memref<10240x128xf32, #tpu.memory_space<vmem_shared>> -> memref<10240x128xf32, #tpu.memory_space<vmem_shared>>
        tpu.wait_indirect_dma semaphore(%run_scoped3A : memref<!tpu.dma_semaphore, #tpu.memory_space<semaphore_mem>>) src(%arg13 : memref<40x128xf32, #tpu.memory_space<vmem>>) dst(%dma_wait3A_68 : memref<10240x128xf32, #tpu.memory_space<vmem_shared>>)
        tpu.yield
      }) : () -> ()
      %mul3A_53 = arith.constant 2 : i32
      %mul3A_54 = arith.muli %mul3A_53, %scan3A_25 : i32
      %add3A_55 = arith.constant 1 : i32
      %add3A_56 = arith.addi %mul3A_54, %add3A_55 : i32
      "tpu.region"() ({
        %run_scoped3A = tpu.sem_alloc : memref<!tpu.dma_semaphore, #tpu.memory_space<semaphore_mem>>
        %dma_start3A_57 = arith.constant 0 : i32
        %dma_start3A_58 = tpu.memref_slice %arg11[%add3A_56, %dma_start3A_57] : memref<250x40xi32, #tpu.memory_space<vmem>> -> memref<1x40xi32, #tpu.memory_space<vmem>>
        %dma_start3A_59 = tpu.memref_squeeze %dma_start3A_58 : memref<1x40xi32, #tpu.memory_space<vmem>> -> memref<40xi32, #tpu.memory_space<vmem>>
        %dma_start3A_60 = arith.constant 0 : i32
        %dma_start3A_61 = arith.constant 0 : i32
        %dma_start3A_62 = tpu.memref_slice %arg16[%dma_start3A_60, %dma_start3A_61] : memref<10240x16xf32, #tpu.memory_space<vmem_shared>> -> memref<10240x16xf32, #tpu.memory_space<vmem_shared>>
        tpu.enqueue_indirect_dma source(%arg14 : memref<40x16xf32, #tpu.memory_space<vmem>>) target(%dma_start3A_62 : memref<10240x16xf32, #tpu.memory_space<vmem_shared>>) offsets(%dma_start3A_59 : memref<40xi32, #tpu.memory_space<vmem>>) semaphore(%run_scoped3A : memref<!tpu.dma_semaphore, #tpu.memory_space<semaphore_mem>>) {add = true}
        %dma_wait3A_63 = arith.constant 0 : i32
        %dma_wait3A_64 = tpu.memref_slice %arg11[%add3A_56, %dma_wait3A_63] : memref<250x40xi32, #tpu.memory_space<vmem>> -> memref<1x40xi32, #tpu.memory_space<vmem>>
        %dma_wait3A_65 = tpu.memref_squeeze %dma_wait3A_64 : memref<1x40xi32, #tpu.memory_space<vmem>> -> memref<40xi32, #tpu.memory_space<vmem>>
        %dma_wait3A_66 = arith.constant 0 : i32
        %dma_wait3A_67 = arith.constant 0 : i32
        %dma_wait3A_68 = tpu.memref_slice %arg16[%dma_wait3A_66, %dma_wait3A_67] : memref<10240x16xf32, #tpu.memory_space<vmem_shared>> -> memref<10240x16xf32, #tpu.memory_space<vmem_shared>>
        tpu.wait_indirect_dma semaphore(%run_scoped3A : memref<!tpu.dma_semaphore, #tpu.memory_space<semaphore_mem>>) src(%arg14 : memref<40x16xf32, #tpu.memory_space<vmem>>) dst(%dma_wait3A_68 : memref<10240x16xf32, #tpu.memory_space<vmem_shared>>)
        tpu.yield
      }) : () -> ()
    }
    %scan3A_15 = arith.constant 125 : i32
    %barrier3A_16 = arith.constant 0 : index
    tpu.barrier barrier_id(%barrier3A_16)
    %mul3A_17 = arith.constant 640 : i32
    %mul3A_18 = arith.muli %arg1, %mul3A_17 : i32
    %mul3A_19 = arith.constant 640 : i32
    %mul3A_20 = arith.muli %arg1, %mul3A_19 : i32
    "tpu.region"() ({
      %run_scoped3A = tpu.sem_alloc : memref<!tpu.dma_semaphore, #tpu.memory_space<semaphore_mem>>
      %dma_start3A_25 = arith.constant 0 : i32
      %dma_start3A_26 = tpu.memref_slice %arg8[%arg0, %mul3A_20, %dma_start3A_25] : memref<2x10240x128xf32, #tpu.memory_space<hbm>> -> memref<1x640x128xf32, #tpu.memory_space<hbm>>
      %dma_start3A_27 = tpu.memref_squeeze %dma_start3A_26 : memref<1x640x128xf32, #tpu.memory_space<hbm>> -> memref<640x128xf32, #tpu.memory_space<hbm>>
      %dma_start3A_28 = arith.constant 0 : i32
      %dma_start3A_29 = tpu.memref_slice %arg15[%mul3A_18, %dma_start3A_28] : memref<10240x128xf32, #tpu.memory_space<vmem_shared>> -> memref<640x128xf32, #tpu.memory_space<vmem_shared>>
      tpu.enqueue_dma source(%dma_start3A_29 : memref<640x128xf32, #tpu.memory_space<vmem_shared>>) target(%dma_start3A_27 : memref<640x128xf32, #tpu.memory_space<hbm>>) target_semaphore(%run_scoped3A : memref<!tpu.dma_semaphore, #tpu.memory_space<semaphore_mem>>)
      %dma_wait3A = arith.constant 0 : i32
      %dma_wait3A_30 = tpu.memref_slice %arg8[%arg0, %mul3A_20, %dma_wait3A] : memref<2x10240x128xf32, #tpu.memory_space<hbm>> -> memref<1x640x128xf32, #tpu.memory_space<hbm>>
      %dma_wait3A_31 = tpu.memref_squeeze %dma_wait3A_30 : memref<1x640x128xf32, #tpu.memory_space<hbm>> -> memref<640x128xf32, #tpu.memory_space<hbm>>
      %dma_wait3A_32 = arith.constant 0 : i32
      %dma_wait3A_33 = tpu.memref_slice %arg15[%mul3A_18, %dma_wait3A_32] : memref<10240x128xf32, #tpu.memory_space<vmem_shared>> -> memref<640x128xf32, #tpu.memory_space<vmem_shared>>
      tpu.wait_dma2 semaphore(%run_scoped3A : memref<!tpu.dma_semaphore, #tpu.memory_space<semaphore_mem>>) src(%dma_wait3A_33 : memref<640x128xf32, #tpu.memory_space<vmem_shared>>) dst(%dma_wait3A_31 : memref<640x128xf32, #tpu.memory_space<hbm>>)
      tpu.yield
    }) : () -> ()
    %mul3A_21 = arith.constant 640 : i32
    %mul3A_22 = arith.muli %arg1, %mul3A_21 : i32
    %mul3A_23 = arith.constant 640 : i32
    %mul3A_24 = arith.muli %arg1, %mul3A_23 : i32
    "tpu.region"() ({
      %run_scoped3A = tpu.sem_alloc : memref<!tpu.dma_semaphore, #tpu.memory_space<semaphore_mem>>
      %dma_start3A_25 = arith.constant 0 : i32
      %dma_start3A_26 = tpu.memref_slice %arg9[%arg0, %mul3A_24, %dma_start3A_25] : memref<2x10240x16xf32, #tpu.memory_space<hbm>> -> memref<1x640x16xf32, #tpu.memory_space<hbm>>
      %dma_start3A_27 = tpu.memref_squeeze %dma_start3A_26 : memref<1x640x16xf32, #tpu.memory_space<hbm>> -> memref<640x16xf32, #tpu.memory_space<hbm>>
      %dma_start3A_28 = arith.constant 0 : i32
      %dma_start3A_29 = tpu.memref_slice %arg16[%mul3A_22, %dma_start3A_28] : memref<10240x16xf32, #tpu.memory_space<vmem_shared>> -> memref<640x16xf32, #tpu.memory_space<vmem_shared>>
      tpu.enqueue_dma source(%dma_start3A_29 : memref<640x16xf32, #tpu.memory_space<vmem_shared>>) target(%dma_start3A_27 : memref<640x16xf32, #tpu.memory_space<hbm>>) target_semaphore(%run_scoped3A : memref<!tpu.dma_semaphore, #tpu.memory_space<semaphore_mem>>)
      %dma_wait3A = arith.constant 0 : i32
      %dma_wait3A_30 = tpu.memref_slice %arg9[%arg0, %mul3A_24, %dma_wait3A] : memref<2x10240x16xf32, #tpu.memory_space<hbm>> -> memref<1x640x16xf32, #tpu.memory_space<hbm>>
      %dma_wait3A_31 = tpu.memref_squeeze %dma_wait3A_30 : memref<1x640x16xf32, #tpu.memory_space<hbm>> -> memref<640x16xf32, #tpu.memory_space<hbm>>
      %dma_wait3A_32 = arith.constant 0 : i32
      %dma_wait3A_33 = tpu.memref_slice %arg16[%mul3A_22, %dma_wait3A_32] : memref<10240x16xf32, #tpu.memory_space<vmem_shared>> -> memref<640x16xf32, #tpu.memory_space<vmem_shared>>
      tpu.wait_dma2 semaphore(%run_scoped3A : memref<!tpu.dma_semaphore, #tpu.memory_space<semaphore_mem>>) src(%dma_wait3A_33 : memref<640x16xf32, #tpu.memory_space<vmem_shared>>) dst(%dma_wait3A_31 : memref<640x16xf32, #tpu.memory_space<hbm>>)
      tpu.yield
    }) : () -> ()
    return
  }
}

#map = affine_map<(d0, d1) -> (0, 0)>
#map1 = affine_map<(d0, d1) -> (0)>
#map2 = affine_map<(d0, d1) -> (0, 0, 0)>
module attributes {stable_mosaic.version = 14 : i64} {
  func.func @_sc_segment_sum(%arg0: i32, %arg1: i32, %arg2: memref<10000x128xf32, #tpu.memory_space<hbm>>, %arg3: memref<320000xi32, #tpu.memory_space<hbm>>, %arg4: memref<32x250x40xi32, #tpu.memory_space<hbm>>, %arg5: memref<640x128xf32, #tpu.memory_space<hbm>>, %arg6: memref<640x16xf32, #tpu.memory_space<hbm>>, %arg7: memref<40x16xf32, #tpu.memory_space<hbm>>, %arg8: memref<2x10240x128xf32, #tpu.memory_space<hbm>>, %arg9: memref<2x10240x16xf32, #tpu.memory_space<hbm>>, %arg10: memref<10000xi32, #tpu.memory_space<vmem>>, %arg11: memref<250x40xi32, #tpu.memory_space<vmem>>, %arg12: memref<40x128xf32, #tpu.memory_space<vmem>>, %arg13: memref<40x128xf32, #tpu.memory_space<vmem>>, %arg14: memref<40x16xf32, #tpu.memory_space<vmem>>, %arg15: memref<10240x128xf32, #tpu.memory_space<vmem_shared>>, %arg16: memref<10240x16xf32, #tpu.memory_space<vmem_shared>>, %arg17: memref<!tpu.dma_semaphore, #tpu.memory_space<semaphore_mem>>, %arg18: memref<!tpu.dma_semaphore, #tpu.memory_space<semaphore_mem>>) attributes {dimension_semantics = [#tpu.dimension_semantics<core_parallel>, #tpu.dimension_semantics<subcore_parallel>], iteration_bounds = array<i64: 2, 16>, scalar_prefetch = 0 : i64, scratch_operands = 9 : i64, tpu.core_type = #tpu.core_type<sc_vector_subcore>, window_params = [{transform_indices = #map}, {transform_indices = #map1}, {transform_indices = #map2}, {transform_indices = #map}, {transform_indices = #map}, {transform_indices = #map}, {transform_indices = #map2}, {transform_indices = #map2}]} {
    %mul3A = arith.constant 2 : i32
    %mul3A_0 = arith.muli %arg1, %mul3A : i32
    %add3A = arith.addi %mul3A_0, %arg0 : i32
    "tpu.region"() ({
      %run_scoped3A = tpu.sem_alloc : memref<!tpu.dma_semaphore, #tpu.memory_space<semaphore_mem>>
      tpu.enqueue_dma source(%arg7 : memref<40x16xf32, #tpu.memory_space<hbm>>) target(%arg14 : memref<40x16xf32, #tpu.memory_space<vmem>>) target_semaphore(%run_scoped3A : memref<!tpu.dma_semaphore, #tpu.memory_space<semaphore_mem>>)
      tpu.wait_dma2 semaphore(%run_scoped3A : memref<!tpu.dma_semaphore, #tpu.memory_space<semaphore_mem>>) src(%arg7 : memref<40x16xf32, #tpu.memory_space<hbm>>) dst(%arg14 : memref<40x16xf32, #tpu.memory_space<vmem>>)
      tpu.yield
    }) : () -> ()
    %mul3A_1 = arith.constant 640 : i32
    %mul3A_2 = arith.muli %arg1, %mul3A_1 : i32
    "tpu.region"() ({
      %run_scoped3A = tpu.sem_alloc : memref<!tpu.dma_semaphore, #tpu.memory_space<semaphore_mem>>
      %dma_start3A_25 = arith.constant 0 : i32
      %dma_start3A_26 = tpu.memref_slice %arg15[%mul3A_2, %dma_start3A_25] : memref<10240x128xf32, #tpu.memory_space<vmem_shared>> -> memref<640x128xf32, #tpu.memory_space<vmem_shared>>
      tpu.enqueue_dma source(%arg5 : memref<640x128xf32, #tpu.memory_space<hbm>>) target(%dma_start3A_26 : memref<640x128xf32, #tpu.memory_space<vmem_shared>>) target_semaphore(%run_scoped3A : memref<!tpu.dma_semaphore, #tpu.memory_space<semaphore_mem>>)
      %dma_wait3A = arith.constant 0 : i32
      %dma_wait3A_27 = tpu.memref_slice %arg15[%mul3A_2, %dma_wait3A] : memref<10240x128xf32, #tpu.memory_space<vmem_shared>> -> memref<640x128xf32, #tpu.memory_space<vmem_shared>>
      tpu.wait_dma2 semaphore(%run_scoped3A : memref<!tpu.dma_semaphore, #tpu.memory_space<semaphore_mem>>) src(%arg5 : memref<640x128xf32, #tpu.memory_space<hbm>>) dst(%dma_wait3A_27 : memref<640x128xf32, #tpu.memory_space<vmem_shared>>)
      tpu.yield
    }) : () -> ()
    %mul3A_3 = arith.constant 640 : i32
    %mul3A_4 = arith.muli %arg1, %mul3A_3 : i32
    "tpu.region"() ({
      %run_scoped3A = tpu.sem_alloc : memref<!tpu.dma_semaphore, #tpu.memory_space<semaphore_mem>>
      %dma_start3A_25 = arith.constant 0 : i32
      %dma_start3A_26 = tpu.memref_slice %arg16[%mul3A_4, %dma_start3A_25] : memref<10240x16xf32, #tpu.memory_space<vmem_shared>> -> memref<640x16xf32, #tpu.memory_space<vmem_shared>>
      tpu.enqueue_dma source(%arg6 : memref<640x16xf32, #tpu.memory_space<hbm>>) target(%dma_start3A_26 : memref<640x16xf32, #tpu.memory_space<vmem_shared>>) target_semaphore(%run_scoped3A : memref<!tpu.dma_semaphore, #tpu.memory_space<semaphore_mem>>)
      %dma_wait3A = arith.constant 0 : i32
      %dma_wait3A_27 = tpu.memref_slice %arg16[%mul3A_4, %dma_wait3A] : memref<10240x16xf32, #tpu.memory_space<vmem_shared>> -> memref<640x16xf32, #tpu.memory_space<vmem_shared>>
      tpu.wait_dma2 semaphore(%run_scoped3A : memref<!tpu.dma_semaphore, #tpu.memory_space<semaphore_mem>>) src(%arg6 : memref<640x16xf32, #tpu.memory_space<hbm>>) dst(%dma_wait3A_27 : memref<640x16xf32, #tpu.memory_space<vmem_shared>>)
      tpu.yield
    }) : () -> ()
    %barrier3A = arith.constant 0 : index
    tpu.barrier barrier_id(%barrier3A)
    %mul3A_5 = arith.constant 10000 : i32
    %mul3A_6 = arith.muli %add3A, %mul3A_5 : i32
    "tpu.region"() ({
      %run_scoped3A = tpu.sem_alloc : memref<!tpu.dma_semaphore, #tpu.memory_space<semaphore_mem>>
      %dma_start3A_25 = tpu.memref_slice %arg3[%mul3A_6] : memref<320000xi32, #tpu.memory_space<hbm>> -> memref<10000xi32, #tpu.memory_space<hbm>>
      %dma_start3A_26 = tpu.memref_slice %arg3[%mul3A_6] : memref<320000xi32, #tpu.memory_space<hbm>> -> memref<10000xi32, #tpu.memory_space<hbm>>
      tpu.enqueue_dma source(%dma_start3A_26 : memref<10000xi32, #tpu.memory_space<hbm>>) target(%arg10 : memref<10000xi32, #tpu.memory_space<vmem>>) target_semaphore(%run_scoped3A : memref<!tpu.dma_semaphore, #tpu.memory_space<semaphore_mem>>)
      %dma_wait3A = tpu.memref_slice %arg3[%mul3A_6] : memref<320000xi32, #tpu.memory_space<hbm>> -> memref<10000xi32, #tpu.memory_space<hbm>>
      %dma_wait3A_27 = tpu.memref_slice %arg3[%mul3A_6] : memref<320000xi32, #tpu.memory_space<hbm>> -> memref<10000xi32, #tpu.memory_space<hbm>>
      tpu.wait_dma2 semaphore(%run_scoped3A : memref<!tpu.dma_semaphore, #tpu.memory_space<semaphore_mem>>) src(%dma_wait3A_27 : memref<10000xi32, #tpu.memory_space<hbm>>) dst(%arg10 : memref<10000xi32, #tpu.memory_space<vmem>>)
      tpu.yield
    }) : () -> ()
    "tpu.region"() ({
      %run_scoped3A = tpu.sem_alloc : memref<!tpu.dma_semaphore, #tpu.memory_space<semaphore_mem>>
      %dma_start3A_25 = arith.constant 0 : i32
      %dma_start3A_26 = arith.constant 0 : i32
      %dma_start3A_27 = tpu.memref_slice %arg4[%add3A, %dma_start3A_25, %dma_start3A_26] : memref<32x250x40xi32, #tpu.memory_space<hbm>> -> memref<1x250x40xi32, #tpu.memory_space<hbm>>
      %dma_start3A_28 = tpu.memref_squeeze %dma_start3A_27 : memref<1x250x40xi32, #tpu.memory_space<hbm>> -> memref<250x40xi32, #tpu.memory_space<hbm>>
      %dma_start3A_29 = arith.constant 0 : i32
      %dma_start3A_30 = arith.constant 0 : i32
      %dma_start3A_31 = tpu.memref_slice %arg4[%add3A, %dma_start3A_29, %dma_start3A_30] : memref<32x250x40xi32, #tpu.memory_space<hbm>> -> memref<1x250x40xi32, #tpu.memory_space<hbm>>
      %dma_start3A_32 = tpu.memref_squeeze %dma_start3A_31 : memref<1x250x40xi32, #tpu.memory_space<hbm>> -> memref<250x40xi32, #tpu.memory_space<hbm>>
      tpu.enqueue_dma source(%dma_start3A_32 : memref<250x40xi32, #tpu.memory_space<hbm>>) target(%arg11 : memref<250x40xi32, #tpu.memory_space<vmem>>) target_semaphore(%run_scoped3A : memref<!tpu.dma_semaphore, #tpu.memory_space<semaphore_mem>>)
      %dma_wait3A = arith.constant 0 : i32
      %dma_wait3A_33 = arith.constant 0 : i32
      %dma_wait3A_34 = tpu.memref_slice %arg4[%add3A, %dma_wait3A, %dma_wait3A_33] : memref<32x250x40xi32, #tpu.memory_space<hbm>> -> memref<1x250x40xi32, #tpu.memory_space<hbm>>
      %dma_wait3A_35 = tpu.memref_squeeze %dma_wait3A_34 : memref<1x250x40xi32, #tpu.memory_space<hbm>> -> memref<250x40xi32, #tpu.memory_space<hbm>>
      %dma_wait3A_36 = arith.constant 0 : i32
      %dma_wait3A_37 = arith.constant 0 : i32
      %dma_wait3A_38 = tpu.memref_slice %arg4[%add3A, %dma_wait3A_36, %dma_wait3A_37] : memref<32x250x40xi32, #tpu.memory_space<hbm>> -> memref<1x250x40xi32, #tpu.memory_space<hbm>>
      %dma_wait3A_39 = tpu.memref_squeeze %dma_wait3A_38 : memref<1x250x40xi32, #tpu.memory_space<hbm>> -> memref<250x40xi32, #tpu.memory_space<hbm>>
      tpu.wait_dma2 semaphore(%run_scoped3A : memref<!tpu.dma_semaphore, #tpu.memory_space<semaphore_mem>>) src(%dma_wait3A_39 : memref<250x40xi32, #tpu.memory_space<hbm>>) dst(%arg11 : memref<250x40xi32, #tpu.memory_space<vmem>>)
      tpu.yield
    }) : () -> ()
    %dma_start3A = arith.constant 0 : i32
    %dma_start3A_7 = tpu.memref_slice %arg10[%dma_start3A] : memref<10000xi32, #tpu.memory_space<vmem>> -> memref<40xi32, #tpu.memory_space<vmem>>
    %dma_start3A_8 = arith.constant 0 : i32
    %dma_start3A_9 = arith.constant 0 : i32
    %dma_start3A_10 = tpu.memref_slice %arg2[%dma_start3A_8, %dma_start3A_9] : memref<10000x128xf32, #tpu.memory_space<hbm>> -> memref<10000x128xf32, #tpu.memory_space<hbm>>
    tpu.enqueue_indirect_dma source(%dma_start3A_10 : memref<10000x128xf32, #tpu.memory_space<hbm>>) target(%arg12 : memref<40x128xf32, #tpu.memory_space<vmem>>) offsets(%dma_start3A_7 : memref<40xi32, #tpu.memory_space<vmem>>) semaphore(%arg17 : memref<!tpu.dma_semaphore, #tpu.memory_space<semaphore_mem>>)
    %scan3A = arith.constant 0 : i32
    %scan3A_11 = arith.constant 0 : i32
    %scan3A_12 = arith.constant 125 : i32
    %scan3A_13 = arith.addi %scan3A_11, %scan3A_12 : i32
    %scan3A_14 = arith.constant 1 : i32
    scf.for %scan3A_25 = %scan3A_11 to %scan3A_13 step %scan3A_14  : i32 {
      %mul3A_26 = arith.constant 80 : i32
      %mul3A_27 = arith.muli %scan3A_25, %mul3A_26 : i32
      %dma_wait3A = tpu.memref_slice %arg10[%mul3A_27] : memref<10000xi32, #tpu.memory_space<vmem>> -> memref<40xi32, #tpu.memory_space<vmem>>
      %dma_wait3A_28 = arith.constant 0 : i32
      %dma_wait3A_29 = arith.constant 0 : i32
      %dma_wait3A_30 = tpu.memref_slice %arg2[%dma_wait3A_28, %dma_wait3A_29] : memref<10000x128xf32, #tpu.memory_space<hbm>> -> memref<10000x128xf32, #tpu.memory_space<hbm>>
      tpu.wait_indirect_dma semaphore(%arg17 : memref<!tpu.dma_semaphore, #tpu.memory_space<semaphore_mem>>) src(%dma_wait3A_30 : memref<10000x128xf32, #tpu.memory_space<hbm>>) dst(%arg12 : memref<40x128xf32, #tpu.memory_space<vmem>>)
      %add3A_31 = arith.constant 40 : i32
      %add3A_32 = arith.addi %mul3A_27, %add3A_31 : i32
      %dma_start3A_33 = tpu.memref_slice %arg10[%add3A_32] : memref<10000xi32, #tpu.memory_space<vmem>> -> memref<40xi32, #tpu.memory_space<vmem>>
      %dma_start3A_34 = arith.constant 0 : i32
      %dma_start3A_35 = arith.constant 0 : i32
      %dma_start3A_36 = tpu.memref_slice %arg2[%dma_start3A_34, %dma_start3A_35] : memref<10000x128xf32, #tpu.memory_space<hbm>> -> memref<10000x128xf32, #tpu.memory_space<hbm>>
      tpu.enqueue_indirect_dma source(%dma_start3A_36 : memref<10000x128xf32, #tpu.memory_space<hbm>>) target(%arg13 : memref<40x128xf32, #tpu.memory_space<vmem>>) offsets(%dma_start3A_33 : memref<40xi32, #tpu.memory_space<vmem>>) semaphore(%arg18 : memref<!tpu.dma_semaphore, #tpu.memory_space<semaphore_mem>>)
      %mul3A_37 = arith.constant 2 : i32
      %mul3A_38 = arith.muli %mul3A_37, %scan3A_25 : i32
      "tpu.region"() ({
        %run_scoped3A = tpu.sem_alloc : memref<!tpu.dma_semaphore, #tpu.memory_space<semaphore_mem>>
        %dma_start3A_57 = arith.constant 0 : i32
        %dma_start3A_58 = tpu.memref_slice %arg11[%mul3A_38, %dma_start3A_57] : memref<250x40xi32, #tpu.memory_space<vmem>> -> memref<1x40xi32, #tpu.memory_space<vmem>>
        %dma_start3A_59 = tpu.memref_squeeze %dma_start3A_58 : memref<1x40xi32, #tpu.memory_space<vmem>> -> memref<40xi32, #tpu.memory_space<vmem>>
        %dma_start3A_60 = arith.constant 0 : i32
        %dma_start3A_61 = arith.constant 0 : i32
        %dma_start3A_62 = tpu.memref_slice %arg15[%dma_start3A_60, %dma_start3A_61] : memref<10240x128xf32, #tpu.memory_space<vmem_shared>> -> memref<10240x128xf32, #tpu.memory_space<vmem_shared>>
        tpu.enqueue_indirect_dma source(%arg12 : memref<40x128xf32, #tpu.memory_space<vmem>>) target(%dma_start3A_62 : memref<10240x128xf32, #tpu.memory_space<vmem_shared>>) offsets(%dma_start3A_59 : memref<40xi32, #tpu.memory_space<vmem>>) semaphore(%run_scoped3A : memref<!tpu.dma_semaphore, #tpu.memory_space<semaphore_mem>>) {add = true}
        %dma_wait3A_63 = arith.constant 0 : i32
        %dma_wait3A_64 = tpu.memref_slice %arg11[%mul3A_38, %dma_wait3A_63] : memref<250x40xi32, #tpu.memory_space<vmem>> -> memref<1x40xi32, #tpu.memory_space<vmem>>
        %dma_wait3A_65 = tpu.memref_squeeze %dma_wait3A_64 : memref<1x40xi32, #tpu.memory_space<vmem>> -> memref<40xi32, #tpu.memory_space<vmem>>
        %dma_wait3A_66 = arith.constant 0 : i32
        %dma_wait3A_67 = arith.constant 0 : i32
        %dma_wait3A_68 = tpu.memref_slice %arg15[%dma_wait3A_66, %dma_wait3A_67] : memref<10240x128xf32, #tpu.memory_space<vmem_shared>> -> memref<10240x128xf32, #tpu.memory_space<vmem_shared>>
        tpu.wait_indirect_dma semaphore(%run_scoped3A : memref<!tpu.dma_semaphore, #tpu.memory_space<semaphore_mem>>) src(%arg12 : memref<40x128xf32, #tpu.memory_space<vmem>>) dst(%dma_wait3A_68 : memref<10240x128xf32, #tpu.memory_space<vmem_shared>>)
        tpu.yield
      }) : () -> ()
      %mul3A_39 = arith.constant 2 : i32
      %mul3A_40 = arith.muli %mul3A_39, %scan3A_25 : i32
      "tpu.region"() ({
        %run_scoped3A = tpu.sem_alloc : memref<!tpu.dma_semaphore, #tpu.memory_space<semaphore_mem>>
        %dma_start3A_57 = arith.constant 0 : i32
        %dma_start3A_58 = tpu.memref_slice %arg11[%mul3A_40, %dma_start3A_57] : memref<250x40xi32, #tpu.memory_space<vmem>> -> memref<1x40xi32, #tpu.memory_space<vmem>>
        %dma_start3A_59 = tpu.memref_squeeze %dma_start3A_58 : memref<1x40xi32, #tpu.memory_space<vmem>> -> memref<40xi32, #tpu.memory_space<vmem>>
        %dma_start3A_60 = arith.constant 0 : i32
        %dma_start3A_61 = arith.constant 0 : i32
        %dma_start3A_62 = tpu.memref_slice %arg16[%dma_start3A_60, %dma_start3A_61] : memref<10240x16xf32, #tpu.memory_space<vmem_shared>> -> memref<10240x16xf32, #tpu.memory_space<vmem_shared>>
        tpu.enqueue_indirect_dma source(%arg14 : memref<40x16xf32, #tpu.memory_space<vmem>>) target(%dma_start3A_62 : memref<10240x16xf32, #tpu.memory_space<vmem_shared>>) offsets(%dma_start3A_59 : memref<40xi32, #tpu.memory_space<vmem>>) semaphore(%run_scoped3A : memref<!tpu.dma_semaphore, #tpu.memory_space<semaphore_mem>>) {add = true}
        %dma_wait3A_63 = arith.constant 0 : i32
        %dma_wait3A_64 = tpu.memref_slice %arg11[%mul3A_40, %dma_wait3A_63] : memref<250x40xi32, #tpu.memory_space<vmem>> -> memref<1x40xi32, #tpu.memory_space<vmem>>
        %dma_wait3A_65 = tpu.memref_squeeze %dma_wait3A_64 : memref<1x40xi32, #tpu.memory_space<vmem>> -> memref<40xi32, #tpu.memory_space<vmem>>
        %dma_wait3A_66 = arith.constant 0 : i32
        %dma_wait3A_67 = arith.constant 0 : i32
        %dma_wait3A_68 = tpu.memref_slice %arg16[%dma_wait3A_66, %dma_wait3A_67] : memref<10240x16xf32, #tpu.memory_space<vmem_shared>> -> memref<10240x16xf32, #tpu.memory_space<vmem_shared>>
        tpu.wait_indirect_dma semaphore(%run_scoped3A : memref<!tpu.dma_semaphore, #tpu.memory_space<semaphore_mem>>) src(%arg14 : memref<40x16xf32, #tpu.memory_space<vmem>>) dst(%dma_wait3A_68 : memref<10240x16xf32, #tpu.memory_space<vmem_shared>>)
        tpu.yield
      }) : () -> ()
      %add3A_41 = arith.constant 40 : i32
      %add3A_42 = arith.addi %mul3A_27, %add3A_41 : i32
      %dma_wait3A_43 = tpu.memref_slice %arg10[%add3A_42] : memref<10000xi32, #tpu.memory_space<vmem>> -> memref<40xi32, #tpu.memory_space<vmem>>
      %dma_wait3A_44 = arith.constant 0 : i32
      %dma_wait3A_45 = arith.constant 0 : i32
      %dma_wait3A_46 = tpu.memref_slice %arg2[%dma_wait3A_44, %dma_wait3A_45] : memref<10000x128xf32, #tpu.memory_space<hbm>> -> memref<10000x128xf32, #tpu.memory_space<hbm>>
      tpu.wait_indirect_dma semaphore(%arg18 : memref<!tpu.dma_semaphore, #tpu.memory_space<semaphore_mem>>) src(%dma_wait3A_46 : memref<10000x128xf32, #tpu.memory_space<hbm>>) dst(%arg13 : memref<40x128xf32, #tpu.memory_space<vmem>>)
      %lt3A = arith.constant 124 : i32
      %lt3A_47 = arith.cmpi slt, %scan3A_25, %lt3A : i32
      %convert_element_type3A = arith.extui %lt3A_47 : i1 to i32
      %cond3A = arith.constant 0 : i32
      %cond3A_48 = arith.cmpi ne, %convert_element_type3A, %cond3A : i32
      scf.if %cond3A_48 {
        %add3A_57 = arith.constant 80 : i32
        %add3A_58 = arith.addi %mul3A_27, %add3A_57 : i32
        %dma_start3A_59 = tpu.memref_slice %arg10[%add3A_58] : memref<10000xi32, #tpu.memory_space<vmem>> -> memref<40xi32, #tpu.memory_space<vmem>>
        %dma_start3A_60 = arith.constant 0 : i32
        %dma_start3A_61 = arith.constant 0 : i32
        %dma_start3A_62 = tpu.memref_slice %arg2[%dma_start3A_60, %dma_start3A_61] : memref<10000x128xf32, #tpu.memory_space<hbm>> -> memref<10000x128xf32, #tpu.memory_space<hbm>>
        tpu.enqueue_indirect_dma source(%dma_start3A_62 : memref<10000x128xf32, #tpu.memory_space<hbm>>) target(%arg12 : memref<40x128xf32, #tpu.memory_space<vmem>>) offsets(%dma_start3A_59 : memref<40xi32, #tpu.memory_space<vmem>>) semaphore(%arg17 : memref<!tpu.dma_semaphore, #tpu.memory_space<semaphore_mem>>)
      } else {
      }
      %mul3A_49 = arith.constant 2 : i32
      %mul3A_50 = arith.muli %mul3A_49, %scan3A_25 : i32
      %add3A_51 = arith.constant 1 : i32
      %add3A_52 = arith.addi %mul3A_50, %add3A_51 : i32
      "tpu.region"() ({
        %run_scoped3A = tpu.sem_alloc : memref<!tpu.dma_semaphore, #tpu.memory_space<semaphore_mem>>
        %dma_start3A_57 = arith.constant 0 : i32
        %dma_start3A_58 = tpu.memref_slice %arg11[%add3A_52, %dma_start3A_57] : memref<250x40xi32, #tpu.memory_space<vmem>> -> memref<1x40xi32, #tpu.memory_space<vmem>>
        %dma_start3A_59 = tpu.memref_squeeze %dma_start3A_58 : memref<1x40xi32, #tpu.memory_space<vmem>> -> memref<40xi32, #tpu.memory_space<vmem>>
        %dma_start3A_60 = arith.constant 0 : i32
        %dma_start3A_61 = arith.constant 0 : i32
        %dma_start3A_62 = tpu.memref_slice %arg15[%dma_start3A_60, %dma_start3A_61] : memref<10240x128xf32, #tpu.memory_space<vmem_shared>> -> memref<10240x128xf32, #tpu.memory_space<vmem_shared>>
        tpu.enqueue_indirect_dma source(%arg13 : memref<40x128xf32, #tpu.memory_space<vmem>>) target(%dma_start3A_62 : memref<10240x128xf32, #tpu.memory_space<vmem_shared>>) offsets(%dma_start3A_59 : memref<40xi32, #tpu.memory_space<vmem>>) semaphore(%run_scoped3A : memref<!tpu.dma_semaphore, #tpu.memory_space<semaphore_mem>>) {add = true}
        %dma_wait3A_63 = arith.constant 0 : i32
        %dma_wait3A_64 = tpu.memref_slice %arg11[%add3A_52, %dma_wait3A_63] : memref<250x40xi32, #tpu.memory_space<vmem>> -> memref<1x40xi32, #tpu.memory_space<vmem>>
        %dma_wait3A_65 = tpu.memref_squeeze %dma_wait3A_64 : memref<1x40xi32, #tpu.memory_space<vmem>> -> memref<40xi32, #tpu.memory_space<vmem>>
        %dma_wait3A_66 = arith.constant 0 : i32
        %dma_wait3A_67 = arith.constant 0 : i32
        %dma_wait3A_68 = tpu.memref_slice %arg15[%dma_wait3A_66, %dma_wait3A_67] : memref<10240x128xf32, #tpu.memory_space<vmem_shared>> -> memref<10240x128xf32, #tpu.memory_space<vmem_shared>>
        tpu.wait_indirect_dma semaphore(%run_scoped3A : memref<!tpu.dma_semaphore, #tpu.memory_space<semaphore_mem>>) src(%arg13 : memref<40x128xf32, #tpu.memory_space<vmem>>) dst(%dma_wait3A_68 : memref<10240x128xf32, #tpu.memory_space<vmem_shared>>)
        tpu.yield
      }) : () -> ()
      %mul3A_53 = arith.constant 2 : i32
      %mul3A_54 = arith.muli %mul3A_53, %scan3A_25 : i32
      %add3A_55 = arith.constant 1 : i32
      %add3A_56 = arith.addi %mul3A_54, %add3A_55 : i32
      "tpu.region"() ({
        %run_scoped3A = tpu.sem_alloc : memref<!tpu.dma_semaphore, #tpu.memory_space<semaphore_mem>>
        %dma_start3A_57 = arith.constant 0 : i32
        %dma_start3A_58 = tpu.memref_slice %arg11[%add3A_56, %dma_start3A_57] : memref<250x40xi32, #tpu.memory_space<vmem>> -> memref<1x40xi32, #tpu.memory_space<vmem>>
        %dma_start3A_59 = tpu.memref_squeeze %dma_start3A_58 : memref<1x40xi32, #tpu.memory_space<vmem>> -> memref<40xi32, #tpu.memory_space<vmem>>
        %dma_start3A_60 = arith.constant 0 : i32
        %dma_start3A_61 = arith.constant 0 : i32
        %dma_start3A_62 = tpu.memref_slice %arg16[%dma_start3A_60, %dma_start3A_61] : memref<10240x16xf32, #tpu.memory_space<vmem_shared>> -> memref<10240x16xf32, #tpu.memory_space<vmem_shared>>
        tpu.enqueue_indirect_dma source(%arg14 : memref<40x16xf32, #tpu.memory_space<vmem>>) target(%dma_start3A_62 : memref<10240x16xf32, #tpu.memory_space<vmem_shared>>) offsets(%dma_start3A_59 : memref<40xi32, #tpu.memory_space<vmem>>) semaphore(%run_scoped3A : memref<!tpu.dma_semaphore, #tpu.memory_space<semaphore_mem>>) {add = true}
        %dma_wait3A_63 = arith.constant 0 : i32
        %dma_wait3A_64 = tpu.memref_slice %arg11[%add3A_56, %dma_wait3A_63] : memref<250x40xi32, #tpu.memory_space<vmem>> -> memref<1x40xi32, #tpu.memory_space<vmem>>
        %dma_wait3A_65 = tpu.memref_squeeze %dma_wait3A_64 : memref<1x40xi32, #tpu.memory_space<vmem>> -> memref<40xi32, #tpu.memory_space<vmem>>
        %dma_wait3A_66 = arith.constant 0 : i32
        %dma_wait3A_67 = arith.constant 0 : i32
        %dma_wait3A_68 = tpu.memref_slice %arg16[%dma_wait3A_66, %dma_wait3A_67] : memref<10240x16xf32, #tpu.memory_space<vmem_shared>> -> memref<10240x16xf32, #tpu.memory_space<vmem_shared>>
        tpu.wait_indirect_dma semaphore(%run_scoped3A : memref<!tpu.dma_semaphore, #tpu.memory_space<semaphore_mem>>) src(%arg14 : memref<40x16xf32, #tpu.memory_space<vmem>>) dst(%dma_wait3A_68 : memref<10240x16xf32, #tpu.memory_space<vmem_shared>>)
        tpu.yield
      }) : () -> ()
    }
    %scan3A_15 = arith.constant 125 : i32
    %barrier3A_16 = arith.constant 0 : index
    tpu.barrier barrier_id(%barrier3A_16)
    %mul3A_17 = arith.constant 640 : i32
    %mul3A_18 = arith.muli %arg1, %mul3A_17 : i32
    %mul3A_19 = arith.constant 640 : i32
    %mul3A_20 = arith.muli %arg1, %mul3A_19 : i32
    "tpu.region"() ({
      %run_scoped3A = tpu.sem_alloc : memref<!tpu.dma_semaphore, #tpu.memory_space<semaphore_mem>>
      %dma_start3A_25 = arith.constant 0 : i32
      %dma_start3A_26 = tpu.memref_slice %arg8[%arg0, %mul3A_20, %dma_start3A_25] : memref<2x10240x128xf32, #tpu.memory_space<hbm>> -> memref<1x640x128xf32, #tpu.memory_space<hbm>>
      %dma_start3A_27 = tpu.memref_squeeze %dma_start3A_26 : memref<1x640x128xf32, #tpu.memory_space<hbm>> -> memref<640x128xf32, #tpu.memory_space<hbm>>
      %dma_start3A_28 = arith.constant 0 : i32
      %dma_start3A_29 = tpu.memref_slice %arg15[%mul3A_18, %dma_start3A_28] : memref<10240x128xf32, #tpu.memory_space<vmem_shared>> -> memref<640x128xf32, #tpu.memory_space<vmem_shared>>
      tpu.enqueue_dma source(%dma_start3A_29 : memref<640x128xf32, #tpu.memory_space<vmem_shared>>) target(%dma_start3A_27 : memref<640x128xf32, #tpu.memory_space<hbm>>) target_semaphore(%run_scoped3A : memref<!tpu.dma_semaphore, #tpu.memory_space<semaphore_mem>>)
      %dma_wait3A = arith.constant 0 : i32
      %dma_wait3A_30 = tpu.memref_slice %arg8[%arg0, %mul3A_20, %dma_wait3A] : memref<2x10240x128xf32, #tpu.memory_space<hbm>> -> memref<1x640x128xf32, #tpu.memory_space<hbm>>
      %dma_wait3A_31 = tpu.memref_squeeze %dma_wait3A_30 : memref<1x640x128xf32, #tpu.memory_space<hbm>> -> memref<640x128xf32, #tpu.memory_space<hbm>>
      %dma_wait3A_32 = arith.constant 0 : i32
      %dma_wait3A_33 = tpu.memref_slice %arg15[%mul3A_18, %dma_wait3A_32] : memref<10240x128xf32, #tpu.memory_space<vmem_shared>> -> memref<640x128xf32, #tpu.memory_space<vmem_shared>>
      tpu.wait_dma2 semaphore(%run_scoped3A : memref<!tpu.dma_semaphore, #tpu.memory_space<semaphore_mem>>) src(%dma_wait3A_33 : memref<640x128xf32, #tpu.memory_space<vmem_shared>>) dst(%dma_wait3A_31 : memref<640x128xf32, #tpu.memory_space<hbm>>)
      tpu.yield
    }) : () -> ()
    %mul3A_21 = arith.constant 640 : i32
    %mul3A_22 = arith.muli %arg1, %mul3A_21 : i32
    %mul3A_23 = arith.constant 640 : i32
    %mul3A_24 = arith.muli %arg1, %mul3A_23 : i32
    "tpu.region"() ({
      %run_scoped3A = tpu.sem_alloc : memref<!tpu.dma_semaphore, #tpu.memory_space<semaphore_mem>>
      %dma_start3A_25 = arith.constant 0 : i32
      %dma_start3A_26 = tpu.memref_slice %arg9[%arg0, %mul3A_24, %dma_start3A_25] : memref<2x10240x16xf32, #tpu.memory_space<hbm>> -> memref<1x640x16xf32, #tpu.memory_space<hbm>>
      %dma_start3A_27 = tpu.memref_squeeze %dma_start3A_26 : memref<1x640x16xf32, #tpu.memory_space<hbm>> -> memref<640x16xf32, #tpu.memory_space<hbm>>
      %dma_start3A_28 = arith.constant 0 : i32
      %dma_start3A_29 = tpu.memref_slice %arg16[%mul3A_22, %dma_start3A_28] : memref<10240x16xf32, #tpu.memory_space<vmem_shared>> -> memref<640x16xf32, #tpu.memory_space<vmem_shared>>
      tpu.enqueue_dma source(%dma_start3A_29 : memref<640x16xf32, #tpu.memory_space<vmem_shared>>) target(%dma_start3A_27 : memref<640x16xf32, #tpu.memory_space<hbm>>) target_semaphore(%run_scoped3A : memref<!tpu.dma_semaphore, #tpu.memory_space<semaphore_mem>>)
      %dma_wait3A = arith.constant 0 : i32
      %dma_wait3A_30 = tpu.memref_slice %arg9[%arg0, %mul3A_24, %dma_wait3A] : memref<2x10240x16xf32, #tpu.memory_space<hbm>> -> memref<1x640x16xf32, #tpu.memory_space<hbm>>
      %dma_wait3A_31 = tpu.memref_squeeze %dma_wait3A_30 : memref<1x640x16xf32, #tpu.memory_space<hbm>> -> memref<640x16xf32, #tpu.memory_space<hbm>>
      %dma_wait3A_32 = arith.constant 0 : i32
      %dma_wait3A_33 = tpu.memref_slice %arg16[%mul3A_22, %dma_wait3A_32] : memref<10240x16xf32, #tpu.memory_space<vmem_shared>> -> memref<640x16xf32, #tpu.memory_space<vmem_shared>>
      tpu.wait_dma2 semaphore(%run_scoped3A : memref<!tpu.dma_semaphore, #tpu.memory_space<semaphore_mem>>) src(%dma_wait3A_33 : memref<640x16xf32, #tpu.memory_space<vmem_shared>>) dst(%dma_wait3A_31 : memref<640x16xf32, #tpu.memory_space<hbm>>)
      tpu.yield
    }) : () -> ()
    return
  }
}

module attributes {stable_mosaic.version = 14 : i64} {
  func.func @_sage_body(%arg0: i32, %arg1: memref<1000x128xf32, #tpu.memory_space<vmem>>, %arg2: memref<2x1000x128xf32, #tpu.memory_space<vmem>>, %arg3: memref<2x1000x16xf32, #tpu.memory_space<vmem>>, %arg4: memref<128x128xf32, #tpu.memory_space<vmem>>, %arg5: memref<128x128xf32, #tpu.memory_space<vmem>>, %arg6: memref<1x128xf32, #tpu.memory_space<vmem>>, %arg7: memref<1x128xf32, #tpu.memory_space<vmem>>, %arg8: memref<1x128xf32, #tpu.memory_space<vmem>>, %arg9: memref<1000x128xf32, #tpu.memory_space<vmem>>) attributes {dimension_semantics = [#tpu.dimension_semantics<arbitrary>], iteration_bounds = array<i64: 10>, scalar_prefetch = 0 : i64, scratch_operands = 0 : i64, tpu.core_type = #tpu.core_type<tc>, window_params = [{transform_indices = @transform_0, window_bounds = array<i64: 1000, 128>}, {transform_indices = @transform_1, window_bounds = array<i64: 2, 1000, 128>}, {transform_indices = @transform_2, window_bounds = array<i64: 2, 1000, 16>}, {pipeline_mode = #tpu.pipeline_mode<synchronous>, transform_indices = @transform_3, window_bounds = array<i64: 128, 128>}, {pipeline_mode = #tpu.pipeline_mode<synchronous>, transform_indices = @transform_4, window_bounds = array<i64: 128, 128>}, {pipeline_mode = #tpu.pipeline_mode<synchronous>, transform_indices = @transform_5, window_bounds = array<i64: 1, 128>}, {pipeline_mode = #tpu.pipeline_mode<synchronous>, transform_indices = @transform_6, window_bounds = array<i64: 1, 128>}, {pipeline_mode = #tpu.pipeline_mode<synchronous>, transform_indices = @transform_7, window_bounds = array<i64: 1, 128>}, {transform_indices = @transform_8, window_bounds = array<i64: 1000, 128>}]} {
    %get3A = arith.constant 0 : index
    %get3A_0 = arith.constant 0 : index
    %get3A_1 = arith.constant 0 : index
    %get3A_2 = vector.load %arg2[%get3A, %get3A_0, %get3A_1] : memref<2x1000x128xf32, #tpu.memory_space<vmem>>, vector<1x1000x128xf32>
    %get3A_3 = vector.shape_cast %get3A_2 : vector<1x1000x128xf32> to vector<1000x128xf32>
    %get3A_4 = arith.constant 1 : index
    %get3A_5 = arith.constant 0 : index
    %get3A_6 = arith.constant 0 : index
    %get3A_7 = vector.load %arg2[%get3A_4, %get3A_5, %get3A_6] : memref<2x1000x128xf32, #tpu.memory_space<vmem>>, vector<1x1000x128xf32>
    %get3A_8 = vector.shape_cast %get3A_7 : vector<1x1000x128xf32> to vector<1000x128xf32>
    %add3A = arith.addf %get3A_3, %get3A_8 : vector<1000x128xf32>
    %get3A_9 = arith.constant 0 : index
    %get3A_10 = arith.constant 0 : index
    %get3A_11 = arith.constant 0 : index
    %get3A_12 = vector.load %arg3[%get3A_9, %get3A_10, %get3A_11] : memref<2x1000x16xf32, #tpu.memory_space<vmem>>, vector<1x1000x16xf32>
    %get3A_13 = vector.shape_cast %get3A_12 : vector<1x1000x16xf32> to vector<1000x16xf32>
    %get3A_14 = arith.constant 1 : index
    %get3A_15 = arith.constant 0 : index
    %get3A_16 = arith.constant 0 : index
    %get3A_17 = vector.load %arg3[%get3A_14, %get3A_15, %get3A_16] : memref<2x1000x16xf32, #tpu.memory_space<vmem>>, vector<1x1000x16xf32>
    %get3A_18 = vector.shape_cast %get3A_17 : vector<1x1000x16xf32> to vector<1000x16xf32>
    %add3A_19 = arith.addf %get3A_13, %get3A_18 : vector<1000x16xf32>
    %slice3A = vector.extract_strided_slice %add3A_19 {offsets = [0, 0], sizes = [1000, 1], strides = [1, 1]} : vector<1000x16xf32> to vector<1000x1xf32>
    %max3A = arith.constant 1.000000e+00 : f32
    %max3A_20 = vector.broadcast %max3A : f32 to vector<1000x1xf32>
    %max3A_21 = arith.maximumf %slice3A, %max3A_20 : vector<1000x1xf32>
    %div3A = arith.constant 1.000000e+00 : f32
    %div3A_22 = vector.broadcast %div3A : f32 to vector<1000x1xf32>
    %div3A_23 = arith.divf %div3A_22, %max3A_21 : vector<1000x1xf32>
    %mul3A = vector.broadcast %div3A_23 : vector<1000x1xf32> to vector<1000x128xf32>
    %mul3A_24 = arith.mulf %add3A, %mul3A : vector<1000x128xf32>
    %get3A_25 = arith.constant 0 : index
    %get3A_26 = arith.constant 0 : index
    %get3A_27 = vector.load %arg4[%get3A_25, %get3A_26] : memref<128x128xf32, #tpu.memory_space<vmem>>, vector<128x128xf32>
    %dot_general3A = arith.constant dense<0.000000e+00> : vector<1000x128xf32>
    %dot_general3A_28 = tpu.matmul %mul3A_24, %get3A_27, %dot_general3A {dimension_numbers = #tpu.dot_dimension_numbers<[1], [0], [0], [1], [0, 0, 1, 1], [], []>, transpose_lhs_hint = false} : vector<1000x128xf32>, vector<128x128xf32>, vector<1000x128xf32> -> vector<1000x128xf32>
    %get3A_29 = arith.constant 0 : index
    %get3A_30 = arith.constant 0 : index
    %get3A_31 = vector.load %arg6[%get3A_29, %get3A_30] : memref<1x128xf32, #tpu.memory_space<vmem>>, vector<1x128xf32>
    %add3A_32 = vector.broadcast %get3A_31 : vector<1x128xf32> to vector<1000x128xf32>
    %add3A_33 = arith.addf %dot_general3A_28, %add3A_32 : vector<1000x128xf32>
    %get3A_34 = arith.constant 0 : index
    %get3A_35 = arith.constant 0 : index
    %get3A_36 = vector.load %arg1[%get3A_34, %get3A_35] : memref<1000x128xf32, #tpu.memory_space<vmem>>, vector<1000x128xf32>
    %get3A_37 = arith.constant 0 : index
    %get3A_38 = arith.constant 0 : index
    %get3A_39 = vector.load %arg5[%get3A_37, %get3A_38] : memref<128x128xf32, #tpu.memory_space<vmem>>, vector<128x128xf32>
    %dot_general3A_40 = arith.constant dense<0.000000e+00> : vector<1000x128xf32>
    %dot_general3A_41 = tpu.matmul %get3A_36, %get3A_39, %dot_general3A_40 {dimension_numbers = #tpu.dot_dimension_numbers<[1], [0], [0], [1], [0, 0, 1, 1], [], []>, transpose_lhs_hint = false} : vector<1000x128xf32>, vector<128x128xf32>, vector<1000x128xf32> -> vector<1000x128xf32>
    %add3A_42 = arith.addf %add3A_33, %dot_general3A_41 : vector<1000x128xf32>
    %get3A_43 = arith.constant 0 : index
    %get3A_44 = arith.constant 0 : index
    %get3A_45 = vector.load %arg7[%get3A_43, %get3A_44] : memref<1x128xf32, #tpu.memory_space<vmem>>, vector<1x128xf32>
    %mul3A_46 = vector.broadcast %get3A_45 : vector<1x128xf32> to vector<1000x128xf32>
    %mul3A_47 = arith.mulf %add3A_42, %mul3A_46 : vector<1000x128xf32>
    %get3A_48 = arith.constant 0 : index
    %get3A_49 = arith.constant 0 : index
    %get3A_50 = vector.load %arg8[%get3A_48, %get3A_49] : memref<1x128xf32, #tpu.memory_space<vmem>>, vector<1x128xf32>
    %add3A_51 = vector.broadcast %get3A_50 : vector<1x128xf32> to vector<1000x128xf32>
    %add3A_52 = arith.addf %mul3A_47, %add3A_51 : vector<1000x128xf32>
    %get3A_53 = arith.constant 0 : index
    %get3A_54 = arith.constant 0 : index
    %get3A_55 = vector.load %arg1[%get3A_53, %get3A_54] : memref<1000x128xf32, #tpu.memory_space<vmem>>, vector<1000x128xf32>
    %max3A_56 = arith.constant 0.000000e+00 : f32
    %max3A_57 = vector.broadcast %max3A_56 : f32 to vector<1000x128xf32>
    %max3A_58 = arith.maximumf %add3A_52, %max3A_57 : vector<1000x128xf32>
    %add3A_59 = arith.addf %get3A_55, %max3A_58 : vector<1000x128xf32>
    %swap3A = arith.constant 0 : index
    %swap3A_60 = arith.constant 0 : index
    %swap3A_61 = vector.load %arg9[%swap3A, %swap3A_60] : memref<1000x128xf32, #tpu.memory_space<vmem>>, vector<1000x128xf32>
    tpu.vector_store %arg9[%swap3A, %swap3A_60], %add3A_59 {strides = array<i32>} : memref<1000x128xf32, #tpu.memory_space<vmem>>, vector<1000x128xf32>,
    return
  }
  func.func @transform_0(%arg0: i32) -> (i32, i32) {
    %c0_i32 = arith.constant 0 : i32
    %c0_i32_0 = arith.constant 0 : i32
    return %arg0, %c0_i32 : i32, i32
  }
  func.func @transform_1(%arg0: i32) -> (i32, i32, i32) {
    %c0_i32 = arith.constant 0 : i32
    %c0_i32_0 = arith.constant 0 : i32
    %c0_i32_1 = arith.constant 0 : i32
    return %c0_i32, %arg0, %c0_i32_0 : i32, i32, i32
  }
  func.func @transform_2(%arg0: i32) -> (i32, i32, i32) {
    %c0_i32 = arith.constant 0 : i32
    %c0_i32_0 = arith.constant 0 : i32
    %c0_i32_1 = arith.constant 0 : i32
    return %c0_i32, %arg0, %c0_i32_0 : i32, i32, i32
  }
  func.func @transform_3(%arg0: i32) -> (i32, i32) {
    %c0_i32 = arith.constant 0 : i32
    %c0_i32_0 = arith.constant 0 : i32
    %c0_i32_1 = arith.constant 0 : i32
    return %c0_i32, %c0_i32_0 : i32, i32
  }
  func.func @transform_4(%arg0: i32) -> (i32, i32) {
    %c0_i32 = arith.constant 0 : i32
    %c0_i32_0 = arith.constant 0 : i32
    %c0_i32_1 = arith.constant 0 : i32
    return %c0_i32, %c0_i32_0 : i32, i32
  }
  func.func @transform_5(%arg0: i32) -> (i32, i32) {
    %c0_i32 = arith.constant 0 : i32
    %c0_i32_0 = arith.constant 0 : i32
    %c0_i32_1 = arith.constant 0 : i32
    return %c0_i32, %c0_i32_0 : i32, i32
  }
  func.func @transform_6(%arg0: i32) -> (i32, i32) {
    %c0_i32 = arith.constant 0 : i32
    %c0_i32_0 = arith.constant 0 : i32
    %c0_i32_1 = arith.constant 0 : i32
    return %c0_i32, %c0_i32_0 : i32, i32
  }
  func.func @transform_7(%arg0: i32) -> (i32, i32) {
    %c0_i32 = arith.constant 0 : i32
    %c0_i32_0 = arith.constant 0 : i32
    %c0_i32_1 = arith.constant 0 : i32
    return %c0_i32, %c0_i32_0 : i32, i32
  }
  func.func @transform_8(%arg0: i32) -> (i32, i32) {
    %c0_i32 = arith.constant 0 : i32
    %c0_i32_0 = arith.constant 0 : i32
    return %arg0, %c0_i32 : i32, i32
  }
}

module attributes {stable_mosaic.version = 14 : i64} {
  func.func @_in_body(%arg0: i32, %arg1: memref<1000x128xf32, #tpu.memory_space<vmem>>, %arg2: memref<128x128xf32, #tpu.memory_space<vmem>>, %arg3: memref<1x128xf32, #tpu.memory_space<vmem>>, %arg4: memref<1x128xf32, #tpu.memory_space<vmem>>, %arg5: memref<1x128xf32, #tpu.memory_space<vmem>>, %arg6: memref<1000x128xf32, #tpu.memory_space<vmem>>) attributes {dimension_semantics = [#tpu.dimension_semantics<arbitrary>], iteration_bounds = array<i64: 10>, scalar_prefetch = 0 : i64, scratch_operands = 0 : i64, tpu.core_type = #tpu.core_type<tc>, window_params = [{transform_indices = @transform_0, window_bounds = array<i64: 1000, 128>}, {pipeline_mode = #tpu.pipeline_mode<synchronous>, transform_indices = @transform_1, window_bounds = array<i64: 128, 128>}, {pipeline_mode = #tpu.pipeline_mode<synchronous>, transform_indices = @transform_2, window_bounds = array<i64: 1, 128>}, {pipeline_mode = #tpu.pipeline_mode<synchronous>, transform_indices = @transform_3, window_bounds = array<i64: 1, 128>}, {pipeline_mode = #tpu.pipeline_mode<synchronous>, transform_indices = @transform_4, window_bounds = array<i64: 1, 128>}, {transform_indices = @transform_5, window_bounds = array<i64: 1000, 128>}]} {
    %get3A = arith.constant 0 : index
    %get3A_0 = arith.constant 0 : index
    %get3A_1 = vector.load %arg1[%get3A, %get3A_0] : memref<1000x128xf32, #tpu.memory_space<vmem>>, vector<1000x128xf32>
    %get3A_2 = arith.constant 0 : index
    %get3A_3 = arith.constant 0 : index
    %get3A_4 = vector.load %arg2[%get3A_2, %get3A_3] : memref<128x128xf32, #tpu.memory_space<vmem>>, vector<128x128xf32>
    %dot_general3A = arith.constant dense<0.000000e+00> : vector<1000x128xf32>
    %dot_general3A_5 = tpu.matmul %get3A_1, %get3A_4, %dot_general3A {dimension_numbers = #tpu.dot_dimension_numbers<[1], [0], [0], [1], [0, 0, 1, 1], [], []>, transpose_lhs_hint = false} : vector<1000x128xf32>, vector<128x128xf32>, vector<1000x128xf32> -> vector<1000x128xf32>
    %get3A_6 = arith.constant 0 : index
    %get3A_7 = arith.constant 0 : index
    %get3A_8 = vector.load %arg3[%get3A_6, %get3A_7] : memref<1x128xf32, #tpu.memory_space<vmem>>, vector<1x128xf32>
    %add3A = vector.broadcast %get3A_8 : vector<1x128xf32> to vector<1000x128xf32>
    %add3A_9 = arith.addf %dot_general3A_5, %add3A : vector<1000x128xf32>
    %get3A_10 = arith.constant 0 : index
    %get3A_11 = arith.constant 0 : index
    %get3A_12 = vector.load %arg4[%get3A_10, %get3A_11] : memref<1x128xf32, #tpu.memory_space<vmem>>, vector<1x128xf32>
    %mul3A = vector.broadcast %get3A_12 : vector<1x128xf32> to vector<1000x128xf32>
    %mul3A_13 = arith.mulf %add3A_9, %mul3A : vector<1000x128xf32>
    %get3A_14 = arith.constant 0 : index
    %get3A_15 = arith.constant 0 : index
    %get3A_16 = vector.load %arg5[%get3A_14, %get3A_15] : memref<1x128xf32, #tpu.memory_space<vmem>>, vector<1x128xf32>
    %add3A_17 = vector.broadcast %get3A_16 : vector<1x128xf32> to vector<1000x128xf32>
    %add3A_18 = arith.addf %mul3A_13, %add3A_17 : vector<1000x128xf32>
    %max3A = arith.constant 0.000000e+00 : f32
    %max3A_19 = vector.broadcast %max3A : f32 to vector<1000x128xf32>
    %max3A_20 = arith.maximumf %add3A_18, %max3A_19 : vector<1000x128xf32>
    %swap3A = arith.constant 0 : index
    %swap3A_21 = arith.constant 0 : index
    %swap3A_22 = vector.load %arg6[%swap3A, %swap3A_21] : memref<1000x128xf32, #tpu.memory_space<vmem>>, vector<1000x128xf32>
    tpu.vector_store %arg6[%swap3A, %swap3A_21], %max3A_20 {strides = array<i32>} : memref<1000x128xf32, #tpu.memory_space<vmem>>, vector<1000x128xf32>,
    return
  }
  func.func @transform_0(%arg0: i32) -> (i32, i32) {
    %c0_i32 = arith.constant 0 : i32
    %c0_i32_0 = arith.constant 0 : i32
    return %arg0, %c0_i32 : i32, i32
  }
  func.func @transform_1(%arg0: i32) -> (i32, i32) {
    %c0_i32 = arith.constant 0 : i32
    %c0_i32_0 = arith.constant 0 : i32
    %c0_i32_1 = arith.constant 0 : i32
    return %c0_i32, %c0_i32_0 : i32, i32
  }
  func.func @transform_2(%arg0: i32) -> (i32, i32) {
    %c0_i32 = arith.constant 0 : i32
    %c0_i32_0 = arith.constant 0 : i32
    %c0_i32_1 = arith.constant 0 : i32
    return %c0_i32, %c0_i32_0 : i32, i32
  }
  func.func @transform_3(%arg0: i32) -> (i32, i32) {
    %c0_i32 = arith.constant 0 : i32
    %c0_i32_0 = arith.constant 0 : i32
    %c0_i32_1 = arith.constant 0 : i32
    return %c0_i32, %c0_i32_0 : i32, i32
  }
  func.func @transform_4(%arg0: i32) -> (i32, i32) {
    %c0_i32 = arith.constant 0 : i32
    %c0_i32_0 = arith.constant 0 : i32
    %c0_i32_1 = arith.constant 0 : i32
    return %c0_i32, %c0_i32_0 : i32, i32
  }
  func.func @transform_5(%arg0: i32) -> (i32, i32) {
    %c0_i32 = arith.constant 0 : i32
    %c0_i32_0 = arith.constant 0 : i32
    return %arg0, %c0_i32 : i32, i32
  }
}

module attributes {stable_mosaic.version = 14 : i64} {
  func.func @_sage_body(%arg0: i32, %arg1: memref<1000x128xf32, #tpu.memory_space<vmem>>, %arg2: memref<2x1000x128xf32, #tpu.memory_space<vmem>>, %arg3: memref<2x1000x16xf32, #tpu.memory_space<vmem>>, %arg4: memref<128x128xf32, #tpu.memory_space<vmem>>, %arg5: memref<128x128xf32, #tpu.memory_space<vmem>>, %arg6: memref<1x128xf32, #tpu.memory_space<vmem>>, %arg7: memref<1x128xf32, #tpu.memory_space<vmem>>, %arg8: memref<1x128xf32, #tpu.memory_space<vmem>>, %arg9: memref<1000x128xf32, #tpu.memory_space<vmem>>) attributes {dimension_semantics = [#tpu.dimension_semantics<arbitrary>], iteration_bounds = array<i64: 10>, scalar_prefetch = 0 : i64, scratch_operands = 0 : i64, tpu.core_type = #tpu.core_type<tc>, window_params = [{transform_indices = @transform_0, window_bounds = array<i64: 1000, 128>}, {transform_indices = @transform_1, window_bounds = array<i64: 2, 1000, 128>}, {transform_indices = @transform_2, window_bounds = array<i64: 2, 1000, 16>}, {pipeline_mode = #tpu.pipeline_mode<synchronous>, transform_indices = @transform_3, window_bounds = array<i64: 128, 128>}, {pipeline_mode = #tpu.pipeline_mode<synchronous>, transform_indices = @transform_4, window_bounds = array<i64: 128, 128>}, {pipeline_mode = #tpu.pipeline_mode<synchronous>, transform_indices = @transform_5, window_bounds = array<i64: 1, 128>}, {pipeline_mode = #tpu.pipeline_mode<synchronous>, transform_indices = @transform_6, window_bounds = array<i64: 1, 128>}, {pipeline_mode = #tpu.pipeline_mode<synchronous>, transform_indices = @transform_7, window_bounds = array<i64: 1, 128>}, {transform_indices = @transform_8, window_bounds = array<i64: 1000, 128>}]} {
    %get3A = arith.constant 0 : index
    %get3A_0 = arith.constant 0 : index
    %get3A_1 = arith.constant 0 : index
    %get3A_2 = vector.load %arg2[%get3A, %get3A_0, %get3A_1] : memref<2x1000x128xf32, #tpu.memory_space<vmem>>, vector<1x1000x128xf32>
    %get3A_3 = vector.shape_cast %get3A_2 : vector<1x1000x128xf32> to vector<1000x128xf32>
    %get3A_4 = arith.constant 1 : index
    %get3A_5 = arith.constant 0 : index
    %get3A_6 = arith.constant 0 : index
    %get3A_7 = vector.load %arg2[%get3A_4, %get3A_5, %get3A_6] : memref<2x1000x128xf32, #tpu.memory_space<vmem>>, vector<1x1000x128xf32>
    %get3A_8 = vector.shape_cast %get3A_7 : vector<1x1000x128xf32> to vector<1000x128xf32>
    %add3A = arith.addf %get3A_3, %get3A_8 : vector<1000x128xf32>
    %get3A_9 = arith.constant 0 : index
    %get3A_10 = arith.constant 0 : index
    %get3A_11 = arith.constant 0 : index
    %get3A_12 = vector.load %arg3[%get3A_9, %get3A_10, %get3A_11] : memref<2x1000x16xf32, #tpu.memory_space<vmem>>, vector<1x1000x16xf32>
    %get3A_13 = vector.shape_cast %get3A_12 : vector<1x1000x16xf32> to vector<1000x16xf32>
    %get3A_14 = arith.constant 1 : index
    %get3A_15 = arith.constant 0 : index
    %get3A_16 = arith.constant 0 : index
    %get3A_17 = vector.load %arg3[%get3A_14, %get3A_15, %get3A_16] : memref<2x1000x16xf32, #tpu.memory_space<vmem>>, vector<1x1000x16xf32>
    %get3A_18 = vector.shape_cast %get3A_17 : vector<1x1000x16xf32> to vector<1000x16xf32>
    %add3A_19 = arith.addf %get3A_13, %get3A_18 : vector<1000x16xf32>
    %slice3A = vector.extract_strided_slice %add3A_19 {offsets = [0, 0], sizes = [1000, 1], strides = [1, 1]} : vector<1000x16xf32> to vector<1000x1xf32>
    %max3A = arith.constant 1.000000e+00 : f32
    %max3A_20 = vector.broadcast %max3A : f32 to vector<1000x1xf32>
    %max3A_21 = arith.maximumf %slice3A, %max3A_20 : vector<1000x1xf32>
    %div3A = arith.constant 1.000000e+00 : f32
    %div3A_22 = vector.broadcast %div3A : f32 to vector<1000x1xf32>
    %div3A_23 = arith.divf %div3A_22, %max3A_21 : vector<1000x1xf32>
    %mul3A = vector.broadcast %div3A_23 : vector<1000x1xf32> to vector<1000x128xf32>
    %mul3A_24 = arith.mulf %add3A, %mul3A : vector<1000x128xf32>
    %get3A_25 = arith.constant 0 : index
    %get3A_26 = arith.constant 0 : index
    %get3A_27 = vector.load %arg4[%get3A_25, %get3A_26] : memref<128x128xf32, #tpu.memory_space<vmem>>, vector<128x128xf32>
    %dot_general3A = arith.constant dense<0.000000e+00> : vector<1000x128xf32>
    %dot_general3A_28 = tpu.matmul %mul3A_24, %get3A_27, %dot_general3A {dimension_numbers = #tpu.dot_dimension_numbers<[1], [0], [0], [1], [0, 0, 1, 1], [], []>, transpose_lhs_hint = false} : vector<1000x128xf32>, vector<128x128xf32>, vector<1000x128xf32> -> vector<1000x128xf32>
    %get3A_29 = arith.constant 0 : index
    %get3A_30 = arith.constant 0 : index
    %get3A_31 = vector.load %arg6[%get3A_29, %get3A_30] : memref<1x128xf32, #tpu.memory_space<vmem>>, vector<1x128xf32>
    %add3A_32 = vector.broadcast %get3A_31 : vector<1x128xf32> to vector<1000x128xf32>
    %add3A_33 = arith.addf %dot_general3A_28, %add3A_32 : vector<1000x128xf32>
    %get3A_34 = arith.constant 0 : index
    %get3A_35 = arith.constant 0 : index
    %get3A_36 = vector.load %arg1[%get3A_34, %get3A_35] : memref<1000x128xf32, #tpu.memory_space<vmem>>, vector<1000x128xf32>
    %get3A_37 = arith.constant 0 : index
    %get3A_38 = arith.constant 0 : index
    %get3A_39 = vector.load %arg5[%get3A_37, %get3A_38] : memref<128x128xf32, #tpu.memory_space<vmem>>, vector<128x128xf32>
    %dot_general3A_40 = arith.constant dense<0.000000e+00> : vector<1000x128xf32>
    %dot_general3A_41 = tpu.matmul %get3A_36, %get3A_39, %dot_general3A_40 {dimension_numbers = #tpu.dot_dimension_numbers<[1], [0], [0], [1], [0, 0, 1, 1], [], []>, transpose_lhs_hint = false} : vector<1000x128xf32>, vector<128x128xf32>, vector<1000x128xf32> -> vector<1000x128xf32>
    %add3A_42 = arith.addf %add3A_33, %dot_general3A_41 : vector<1000x128xf32>
    %get3A_43 = arith.constant 0 : index
    %get3A_44 = arith.constant 0 : index
    %get3A_45 = vector.load %arg7[%get3A_43, %get3A_44] : memref<1x128xf32, #tpu.memory_space<vmem>>, vector<1x128xf32>
    %mul3A_46 = vector.broadcast %get3A_45 : vector<1x128xf32> to vector<1000x128xf32>
    %mul3A_47 = arith.mulf %add3A_42, %mul3A_46 : vector<1000x128xf32>
    %get3A_48 = arith.constant 0 : index
    %get3A_49 = arith.constant 0 : index
    %get3A_50 = vector.load %arg8[%get3A_48, %get3A_49] : memref<1x128xf32, #tpu.memory_space<vmem>>, vector<1x128xf32>
    %add3A_51 = vector.broadcast %get3A_50 : vector<1x128xf32> to vector<1000x128xf32>
    %add3A_52 = arith.addf %mul3A_47, %add3A_51 : vector<1000x128xf32>
    %get3A_53 = arith.constant 0 : index
    %get3A_54 = arith.constant 0 : index
    %get3A_55 = vector.load %arg1[%get3A_53, %get3A_54] : memref<1000x128xf32, #tpu.memory_space<vmem>>, vector<1000x128xf32>
    %max3A_56 = arith.constant 0.000000e+00 : f32
    %max3A_57 = vector.broadcast %max3A_56 : f32 to vector<1000x128xf32>
    %max3A_58 = arith.maximumf %add3A_52, %max3A_57 : vector<1000x128xf32>
    %add3A_59 = arith.addf %get3A_55, %max3A_58 : vector<1000x128xf32>
    %swap3A = arith.constant 0 : index
    %swap3A_60 = arith.constant 0 : index
    %swap3A_61 = vector.load %arg9[%swap3A, %swap3A_60] : memref<1000x128xf32, #tpu.memory_space<vmem>>, vector<1000x128xf32>
    tpu.vector_store %arg9[%swap3A, %swap3A_60], %add3A_59 {strides = array<i32>} : memref<1000x128xf32, #tpu.memory_space<vmem>>, vector<1000x128xf32>,
    return
  }
  func.func @transform_0(%arg0: i32) -> (i32, i32) {
    %c0_i32 = arith.constant 0 : i32
    %c0_i32_0 = arith.constant 0 : i32
    return %arg0, %c0_i32 : i32, i32
  }
  func.func @transform_1(%arg0: i32) -> (i32, i32, i32) {
    %c0_i32 = arith.constant 0 : i32
    %c0_i32_0 = arith.constant 0 : i32
    %c0_i32_1 = arith.constant 0 : i32
    return %c0_i32, %arg0, %c0_i32_0 : i32, i32, i32
  }
  func.func @transform_2(%arg0: i32) -> (i32, i32, i32) {
    %c0_i32 = arith.constant 0 : i32
    %c0_i32_0 = arith.constant 0 : i32
    %c0_i32_1 = arith.constant 0 : i32
    return %c0_i32, %arg0, %c0_i32_0 : i32, i32, i32
  }
  func.func @transform_3(%arg0: i32) -> (i32, i32) {
    %c0_i32 = arith.constant 0 : i32
    %c0_i32_0 = arith.constant 0 : i32
    %c0_i32_1 = arith.constant 0 : i32
    return %c0_i32, %c0_i32_0 : i32, i32
  }
  func.func @transform_4(%arg0: i32) -> (i32, i32) {
    %c0_i32 = arith.constant 0 : i32
    %c0_i32_0 = arith.constant 0 : i32
    %c0_i32_1 = arith.constant 0 : i32
    return %c0_i32, %c0_i32_0 : i32, i32
  }
  func.func @transform_5(%arg0: i32) -> (i32, i32) {
    %c0_i32 = arith.constant 0 : i32
    %c0_i32_0 = arith.constant 0 : i32
    %c0_i32_1 = arith.constant 0 : i32
    return %c0_i32, %c0_i32_0 : i32, i32
  }
  func.func @transform_6(%arg0: i32) -> (i32, i32) {
    %c0_i32 = arith.constant 0 : i32
    %c0_i32_0 = arith.constant 0 : i32
    %c0_i32_1 = arith.constant 0 : i32
    return %c0_i32, %c0_i32_0 : i32, i32
  }
  func.func @transform_7(%arg0: i32) -> (i32, i32) {
    %c0_i32 = arith.constant 0 : i32
    %c0_i32_0 = arith.constant 0 : i32
    %c0_i32_1 = arith.constant 0 : i32
    return %c0_i32, %c0_i32_0 : i32, i32
  }
  func.func @transform_8(%arg0: i32) -> (i32, i32) {
    %c0_i32 = arith.constant 0 : i32
    %c0_i32_0 = arith.constant 0 : i32
    return %arg0, %c0_i32 : i32, i32
  }
}

</mosaic_0001>

<sc_bundles>
// kernel: kernel.10.cloned.1.call-start
scs
__scs_entry_jumppad:
0x0: {  	(pc) =	sbr.rel $0x88, $3  }
0x1: {  	(tag) =	ssettag $0x0;
	lr =	simm.s32 $0x1  }
0x2: {  	[smem:$0x3F91] =	sst lr;
	_ =	strace $0xD0000000  }
0x3: {  	_ = 	snop  }
0x4: {  	_ = 	snop  }
0x5: {  	_ = 	snop  }
0x6: {  	_ = 	snop  }
0x7: {  	_ = 	snop  }
__scs_overlays_trampoline_lowered:
0x8: {  	[smem:$0x3FA0] =	sst s0  }
0x9: {  	[smem:$0x3FA1] =	sst s1  }
0xa: {  	[smem:$0x3FA2] =	sst s2  }
0xb: {  	[smem:$0x3FA3] =	sst s3  }
0xc: {  	[smem:$0x3FA4] =	sst s4  }
0xd: {  	[smem:$0x3FA5] =	sst s5  }
0xe: {  	[smem:$0x3FA6] =	sst s6  }
0xf: {  	[smem:$0x3FA7] =	sst s7  }
0x10: {  	[smem:$0x3FA8] =	sst s8  }
0x11: {  	[smem:$0x3FA9] =	sst s9;
	s0 =	simm.s32 @!p0 $0x0  }
0x12: {  	s1 =	sld [smem:$0x3F8F];
	s0 =	simm.s32 @p0 $0x1  }
0x13: {  	[smem:$0x3FAA] =	sst s0;
	s0 =	simm.s32 @!p1 $0x0  }
0x14: {  	s2 =	sld [smem:$0x3F8E];
	s0 =	simm.s32 @p1 $0x1  }
0x15: {  	[smem:$0x3FAB] =	sst s0;
	s0 =	simm.s32 @!p2 $0x0  }
0x16: {  	s3 =	sld [smem:$0x3FDB];
	s0 =	simm.s32 @p2 $0x1  }
0x17: {  	s4 =	simm.s32 $0x1BF5;
	[smem:$0x3FAD] =	sst s0  }
0x18: {  	s0 =	sld [smem:$0x3F90];
	_ =	swait.ge [sflag:s4], $0x0  }
0x19: {  	s7 =	sld [smem:$0x3F91]  }
0x1a: {  	s8 =	sadd.s32 $0xFFFFE003, lr  }
0x1b: {  	s9 =	sadd.s32 $0xFFFFFEF7, lr;
	s5 =	simm.s32 $0xFFFFFFFF;
	p2 =	slt.u32 s8, $0xFFFFF086  }
0x1c: {  	p1 =	slt.u32 s9, $0xF7A;
	s5 =	simm.s32 @!p2 $0x0  }
0x1d: {  	s5 =	simm.s32 @p1 $0x1;
	p0 =	seq.s32 s7, s2  }
0x1e: {  	s7 =	smul.u32 @!p0 $0xF7A, s2;
	p2 =	seq.s32 @!p0 s5, $0x0  }
0x1f: {  	s9 =	smul.u32 $0xF7A, s1;
	s8 =	simm.s32 @!p0 $0x1BF5;
	p2 =	por !p2, p0  }
0x20: {  	[sflag:s8] =	ssyncset.s32 @!p0 $0xFFFFF086;
	s6 =	sadd.s32 @!p0 s3, s7;
	s7 =	simm.s32 @!p0 $0x108  }
0x21: {  	s3 =	sadd.s32 s3, s9;
	s6 =	sadd.s32 @!p0 $0x88, s6;
	s7 =	simm.s32 @p2 $0x1082  }
0x22: {  	[simem:s7], [sflag:s8] =	dma.local @!p0 [hbm:s6], $0xF7A  }
0x23: {  	s9 =	sor.u32 $0xD0000000, s2;
	s6 =	simm.s32 $0x108;
	_ =	swait.ge @!p0 [sflag:s8], $0x0  }
0x24: {  	s3 =	sadd.s32 $0x88, s3;
	s6 =	simm.s32 @!p1 $0x1082;
	[sflag:s4] =	ssyncset.s32 $0xFFFFF086  }
0x25: {  	[simem:s6], [sflag:s4] =	dma.local [hbm:s3], $0xF7A  }
0x26: {  	[smem:$0x3F91] =	sst s1;
	(tag) =	ssettag s2;
	_ =	strace s9  }
0x27: {  	s1 =	sld [smem:$0x3FA1]  }
0x28: {  	s2 =	sld [smem:$0x3FA2]  }
0x29: {  	s4 =	sld [smem:$0x3FA4]  }
0x2a: {  	p0 =	seq.s32 s5, $0x0;
	s5 =	sld [smem:$0x3FA5]  }
0x2b: {  	s6 =	sld [smem:$0x3FA6]  }
0x2c: {  	s7 =	sld [smem:$0x3FA7]  }
0x2d: {  	s3 =	simm.s32 $0x108;
	s8 =	sld [smem:$0x3FA8]  }
0x2e: {  	s3 =	simm.s32 @!p0 $0x1082;
	s9 =	sld [smem:$0x3FA9]  }
0x2f: {  	lr =	sadd.s32 s0, s3;
	s0 =	sld [smem:$0x3FA0]  }
0x30: {  	s3 =	sld [smem:$0x3FA3]  }
0x31: {  	[smem:$0x3FAC] =	sst s10  }
0x32: {  	s10 =	sld [smem:$0x3FAA];
	_ =	sdelay $0x3  }
0x33: {  	p0 =	seq.s32 s10, $0x1;
	s10 =	sld [smem:$0x3FAC];
	_ =	sdelay $0x3  }
0x34: {  	[smem:$0x3FAC] =	sst s10  }
0x35: {  	s10 =	sld [smem:$0x3FAB];
	_ =	sdelay $0x3  }
0x36: {  	p1 =	seq.s32 s10, $0x1;
	s10 =	sld [smem:$0x3FAC];
	_ =	sdelay $0x3  }
0x37: {  	[smem:$0x3FAC] =	sst s10  }
0x38: {  	s10 =	sld [smem:$0x3FAD]  }
0x39: {  	_ = 	snop;
	(pc) =	sbr.ind lr, $3  }
0x3a: {  	_ = 	snop  }
0x3b: {  	_ = 	snop  }
0x3c: {  	p2 =	seq.s32 s10, $0x1;
	s10 =	sld [smem:$0x3FAC]  }
0x3d: {  	_ =	shalt  }
0x3e: {  	_ =	shalt  }
0x3f: {  	_ =	shalt  }
0x40: {  	_ =	shalt  }
0x41: {  	_ =	shalt  }
0x42: {  	_ =	shalt  }
0x43: {  	_ =	shalt  }
0x44: {  	_ =	shalt  }
0x45: {  	_ =	shalt  }
0x46: {  	_ =	shalt  }
0x47: {  	_ =	shalt  }
0x48: {  	_ =	shalt  }
0x49: {  	_ =	shalt  }
0x4a: {  	_ =	shalt  }
0x4b: {  	_ =	shalt  }
0x4c: {  	_ =	shalt  }
0x4d: {  	_ =	shalt  }
0x4e: {  	_ =	shalt  }
0x4f: {  	_ =	shalt  }
0x50: {  	_ =	shalt  }
0x51: {  	_ =	shalt  }
0x52: {  	_ =	shalt  }
0x53: {  	_ =	shalt  }
0x54: {  	_ =	shalt  }
0x55: {  	_ =	shalt  }
0x56: {  	_ =	shalt  }
0x57: {  	_ =	shalt  }
0x58: {  	_ =	shalt  }
0x59: {  	_ =	shalt  }
0x5a: {  	_ =	shalt  }
0x5b: {  	_ =	shalt  }
0x5c: {  	_ =	shalt  }
0x5d: {  	_ =	shalt  }
0x5e: {  	_ =	shalt  }
0x5f: {  	_ =	shalt  }
0x60: {  	_ =	shalt  }
0x61: {  	_ =	shalt  }
0x62: {  	_ =	shalt  }
0x63: {  	_ =	shalt  }
0x64: {  	_ =	shalt  }
0x65: {  	_ =	shalt  }
0x66: {  	_ =	shalt  }
0x67: {  	_ =	shalt  }
0x68: {  	_ =	shalt  }
0x69: {  	_ =	shalt  }
0x6a: {  	_ =	shalt  }
0x6b: {  	_ =	shalt  }
0x6c: {  	_ =	shalt  }
0x6d: {  	_ =	shalt  }
0x6e: {  	_ =	shalt  }
0x6f: {  	_ =	shalt  }
0x70: {  	_ =	shalt  }
0x71: {  	_ =	shalt  }
0x72: {  	_ =	shalt  }
0x73: {  	_ =	shalt  }
0x74: {  	_ =	shalt  }
0x75: {  	_ =	shalt  }
0x76: {  	_ =	shalt  }
0x77: {  	_ =	shalt  }
0x78: {  	_ =	shalt  }
0x79: {  	_ =	shalt  }
0x7a: {  	_ =	shalt  }
0x7b: {  	_ =	shalt  }
0x7c: {  	_ =	shalt  }
0x7d: {  	_ =	shalt  }
0x7e: {  	_ =	shalt  }
0x7f: {  	_ =	shalt  }
0x80: {  	_ =	shalt  }
0x81: {  	_ =	shalt  }
0x82: {  	_ =	shalt  }
0x83: {  	_ =	shalt  }
0x84: {  	_ =	shalt  }
0x85: {  	_ =	shalt  }
0x86: {  	_ =	shalt  }
0x87: {  	_ =	shalt  }
.Lfunc_end0:
.L_simem_size_0:
called_computation.1_lowered:
.L_overlay_start_0:
0x88: {  	s2 =	sld [smem:$0x3FD9]  }
0x89: {  	s3 =	sld [smem:$0x3FFE];
	_ =	sdelay $0x1  }
0x8a: {  	s1 =	srdreg.scid  }
0x8b: {  	s0 =	sand.u32 $0x1, s1  }
0x8c: {  	s17 =	sshll.u32 s0, $0xA;
	s2 =	sadd.s32 s3, s2  }
0x8d: {  	s2 =	sadd.s32 s2, s17  }
0x8e: {  	[smem:$0x3FB8] =	sst s2  }
0x8f: {  	_ = 	snop  }
0x90: {  	s2 =	sld [smem:$0x3FD0];
	(tm) =	ssettm $0x1  }
0x91: {  	s18 =	sld [smem:$0x3FFB];
	_ =	sdelay $0x3  }
0x92: {  	_ =	strace s18  }
0x93: {  	s3 =	sld [smem:$0x3FFC];
	_ =	sdelay $0x3  }
0x94: {  	_ =	strace s3  }
0x95: {  	s3 =	sld [smem:$0x3FFD];
	_ =	sdelay $0x3  }
0x96: {  	_ =	strace s3  }
0x97: {  	_ =	strace $0x8FFFFFFF  }
0x98: {  	s19 =	sld [smem:$0x3FDB];
	_ =	sdelay $0x1  }
0x99: {  	s4 =	simm.s32 $_scs_section_size  }
0x9a: {  	s5 =	simm.s32 $_size__tile_overlayer_lowered;
	s6 =	simm.s32 $_tile_overlayer_lowered  }
0x9b: {  	s22 =	simm.s32 $0x1BFF;
	s21 =	sshll.u32 s6, $0x1;
	s3 =	sadd.s32 s4, s19  }
0x9c: {  	s7 =	simm.s32 $0x0;
	s20 =	sshll.u32 s5, $0x1;
	s5 =	sadd.s32 s21, s3  }
0x9d: {  	[timem:s7], [sflag:s22] =	dma.local [hbm:s5], s20  }
0x9e: {  	_ =	swait.ge [sflag:s22], s20  }
0x9f: {  	s4 =	ssub.s32 $0x0, s20;
	[sflag:s22] =	ssyncset.done $0x0  }
0xa0: {  	[sflag:s22] =	ssyncadd.s32 s4;
	_ =	sdelay $0x1  }
0xa1: {  	s23 =	simm.s32 $0x1B8B  }
0xa2: {  	_ =	swait.ge [sflag:s23], $0x1  }
0xa3: {  	[sflag:s23] =	ssyncset.done $0x0  }
0xa4: {  	s25 =	simm.s32 $0x1B8E;
	s24 =	sld [smem:$0x3FFE];
	[sflag:s23] =	ssyncadd.s32 $0xFFFFFFFF  }
0xa5: {  	s26 =	simm.s32 $execute0_lowered;
	[smem:$0x3FD2] =	sst s25  }
0xa6: {  	s5 =	sshll.u32 s26, $0x1;
	_ =	strace $0x80000049;
	[dreg:$0x1] =	wrdreg $0xFFFFFFFF  }
0xa7: {  	s28 =	simm.s32 $_size_execute0_lowered;
	s3 =	sadd.s32 s3, s5;
	[dreg:$0x0] =	wrdreg $0x0  }
0xa8: {  	s5 =	sshll.u32 s28, $0x1;
	[dreg:$0x2] =	wrdreg s3  }
0xa9: {  	[dreg:$0x3] =	wrdreg s5  }
0xaa: {  	[dreg:$0x4] =	wrdreg $0xC0  }
0xab: {  	_ =	task [dreg:s7], $0x5FFFF  }
0xac: {  	[dreg:$0x1] =	wrdreg $0xFFFFFFFF  }
0xad: {  	[dreg:$0x0] =	wrdreg $0x60  }
0xae: {  	[dreg:$0x2] =	wrdreg s2  }
0xaf: {  	[dreg:$0x3] =	wrdreg s24  }
0xb0: {  	[dreg:$0x4] =	wrdreg $0x78A00  }
0xb1: {  	[dreg:$0x5] =	wrdreg $0x1B8A00  }
0xb2: {  	[dreg:$0x6] =	wrdreg $0x9  }
0xb3: {  	_ =	task.clear_ibuf [dreg:s7], $0x7FFFF;
	_ =	strace $0x90000049  }
0xb4: {  	s29 =	simm.s32 $0x9;
	_ =	strace $0x8000004B  }
0xb5: {  	_ =	swait.ge [sflag:s29], $0x1  }
0xb6: {  	[sflag:s29] =	ssyncadd.s32 $0xFFFFFFFF  }
0xb7: {  	_ =	strace $0x9000004B  }
0xb8: {  	_ =	sfence  }
0xb9: {  	s30 =	sld [smem:$0x0];
	_ =	sdelay $0x2  }
0xba: {  	s31 =	sshll.u32 s1, $0xD;
	s1 =	sshrl.u32 s1, $0x2  }
0xbb: {  	s3 =	sand.u32 $0x4000, s31;
	s1 =	sadd.s32 s1, s30  }
0xbc: {  	s0 =	sor.u32 s3, s0;
	s1 =	sshll.u32 s1, $0x11  }
0xbd: {  	s0 =	sor.u32 s1, s0  }
0xbe: {  	s0 =	sadd.s32 $0x8F2B, s0  }
0xbf: {  	[sflag:s0] =	ssyncadd.remote.s32 $0x1  }
0xc0: {  	_ =	sfence.sel $0xFFFF  }
0xc1: {  	[dreg:$0x0] =	wrdreg $0xFFFFFFFF;
	(pc) =	sbr.abs _section_cstart, $3  }
0xc2: {  	[dreg:$0x1] =	wrdreg $0xFFFFFFFF  }
0xc3: {  	_ =	task.clear_ibuf [dreg:s7], $0x2FFFF;
	_ =	strace $0x9FFFFFFF  }
0xc4: {  	(tm) =	ssettm $0x7FFFFFFF  }
0xc5: {  	_ =	shalt  }
tec
execute0_lowered:
.L_overlay_start_1:
0x0: {  	(tag) =	ssettag $0x1  }
0x1: {  	s1 =	rddreg [dreg:$0x0]  }
0x2: {  	s2 =	srdreg.scid;
	s10 =	rddreg [dreg:$0x1]  }
0x3: {  	s0 =	stileid.u32;
	s3 =	rddreg [dreg:$0x2]  }
0x4: {  	s4 =	rddreg [dreg:$0x3];
	s5 =	simm.s32 $0x0;
	s19 =	simm.s32 $0x2710  }
0x5: {  	s20 =	simm.s32 $0x28;
	s21 =	simm.s32 $0x4E20;
	s22 =	simm.s32 $0x1  }
0x6: {  	s23 =	simm.s32 $0x6220;
	s24 =	simm.s32 $0x2;
	s25 =	simm.s32 $0x26E8  }
0x7: {  	s28 =	simm.s32 $0x4DF8;
	s29 =	simm.s32 $0x0;
	s9 =	sand.u32 $0x1, s2  }
0x8: {  	s26 =	sshll.u32 s0, $0x1;
	s11 =	smul.u32 $0x14000, s0;
	[smem:$0x7FF] =	sst s5  }
0x9: {  	s13 =	smul.u32 $0x2800, s0;
	s7 =	sadd.s32 $0x1A200, s10;
	s8 =	sadd.s32 $0x1A800, s10  }
0xa: {  	s31 =	sshll.u32 s0, $0x6;
	s2 =	sor.u32 s9, s26;
	s12 =	smul.u32 $0x140000, s9  }
0xb: {  	_ =	strace $0x8000004A;
	s14 =	smul.u32 $0x28000, s9;
	s9 =	ssub.s32 $0x2, s9  }
0xc: {  	s26 =	simm.s32 $0x4DD0;
	s6 =	smul.u32 $0x4E2, s2;
	s30 =	sshrl.u32 s9, $0x1  }
0xd: {  	s17 =	sadd.s32 s11, s3;
	s18 =	sadd.s32 s13, s4;
	s12 =	sadd.s32 s11, s12  }
0xe: {  	s14 =	sadd.s32 s13, s14;
	s16 =	ssub.s32 s9, s30;
	s17 =	sshrl.u32 s17, $0x3  }
0xf: {  	s18 =	sshrl.u32 s18, $0x3;
	s15 =	sadd.s32 s6, s10;
	s6 =	sadd.s32 $0x17A00, s10  }
0x10: {  	s12 =	sshrl.u32 s12, $0x3;
	s14 =	sshrl.u32 s14, $0x3;
	s13 =	smax.u32 s16, $0x1  }
0x11: {  	s16 =	sor.u32 $0x1C03, s31;
	s12 =	sadd.s32 s12, s10;
	s14 =	sadd.s32 s14, s10  }
0x12: {  	s9 =	sadd.s32 $0xDC00, s15;
	s10 =	sadd.s32 $0x3E00, s15;
	s15 =	simm.s32 $0x3  }
0x13: {  	s11 =	sadd.s32 $0x24A00, s12;
	s12 =	sadd.s32 $0x1AA00, s14;
	s14 =	simm.s32 $0x7620  }
.LBB2_1:
0x14: {  	[tilespmem:s14], [sflag:$0x3] =	stream.linear.gather [hbm4b:s8+s5], $0x280, $0x38;
	[tilespmem:$0x1E0A0] =	vst v63  }
0x15: {  	_ =	swait.ge [sflag:s15], $0x280  }
0x16: {  	[sflag:s15] =	ssyncset.done $0x0  }
0x17: {  	[sflag:s15] =	ssyncadd.s32 $0xFFFFFD80  }
0x18: {  	[spmem:s17], [sflag:s16] =	dma.local [hbm:s6], $0x2800  }
0x19: {  	_ =	swait.ge [sflag:s15], $0x2800  }
0x1a: {  	[sflag:s15] =	ssyncset.done $0x0  }
0x1b: {  	[sflag:s15] =	ssyncadd.s32 $0xFFFFD800  }
0x1c: {  	[spmem:s18], [sflag:s16] =	dma.local [hbm:s7], $0x500  }
0x1d: {  	_ =	swait.ge [sflag:s15], $0x500  }
0x1e: {  	[sflag:s15] =	ssyncset.done $0x0  }
0x1f: {  	[sflag:s15] =	ssyncadd.s32 $0xFFFFFB00  }
0x20: {  	[bflag:$0x0] =	sbarrier.arrive $0xFFFF  }
0x21: {  	[tilespmem:s5], [sflag:$0x3] =	stream.linear.gather [hbm4b:s9+s5], $0x2710, $0x38;
	[tilespmem:$0x1E0A0] =	vst v63  }
0x22: {  	_ =	swait.ge [sflag:s15], $0x2710  }
0x23: {  	[sflag:s15] =	ssyncset.done $0x0  }
0x24: {  	[sflag:s15] =	ssyncadd.s32 $0xFFFFD8F0  }
0x25: {  	[tilespmem:s19], [sflag:$0x3] =	stream.linear.gather [hbm4b:s10+s5], $0x2710, $0x38;
	[tilespmem:$0x1E0A0] =	vst v63  }
0x26: {  	_ =	swait.ge [sflag:s15], $0x2710  }
0x27: {  	[sflag:s15] =	ssyncset.done $0x0  }
0x28: {  	[sflag:s15] =	ssyncadd.s32 $0xFFFFD8F0  }
0x29: {  	[tilespmem:s21], [sflag:$0x1] =	stream.indirect.gather [hbm4b:s1+s20], $0x80, s5, s20, $0xb8;
	[tilespmem:$0x1E0A0] =	vst v63  }
0x2a: {  	_ =	swait.ge [sflag:s22], $0x1400  }
0x2b: {  	[sflag:s22] =	ssyncset.done $0x0  }
0x2c: {  	s30 =	simm.s32 $0x28;
	[sflag:s22] =	ssyncadd.s32 $0xFFFFEC00  }
0x2d: {  	[tilespmem:s23], [sflag:$0x2] =	stream.indirect.gather [hbm4b:s1+s20], $0x80, s30, s20, $0xb8;
	[tilespmem:$0x1E0A0] =	vst v63  }
0x2e: {  	s30 =	simm.s32 $0x2710  }
0x2f: {  	[spmem:s3] =	stream.indirect.scatter.add.f32 [tilespmem:s21], [sflag:$0x3], $0x80, s30, s20, $0xb8;
	[tilespmem:$0x1E0A0] =	vst v63  }
0x30: {  	_ =	swait.ge [sflag:s15], $0x1400  }
0x31: {  	[sflag:s15] =	ssyncset.done $0x0  }
0x32: {  	[sflag:s15] =	ssyncadd.s32 $0xFFFFEC00  }
0x33: {  	[spmem:s4] =	stream.indirect.scatter.add.f32 [tilespmem:s14], [sflag:$0x3], $0x10, s30, s20, $0xb8;
	[tilespmem:$0x1E0A0] =	vst v63  }
0x34: {  	_ =	swait.ge [sflag:s15], $0x280  }
0x35: {  	[sflag:s15] =	ssyncset.done $0x0  }
0x36: {  	[sflag:s15] =	ssyncadd.s32 $0xFFFFFD80  }
0x37: {  	_ =	swait.ge [sflag:s24], $0x1400  }
0x38: {  	[sflag:s24] =	ssyncset.done $0x0  }
0x39: {  	s30 =	simm.s32 $0x50;
	[sflag:s24] =	ssyncadd.s32 $0xFFFFEC00  }
0x3a: {  	[tilespmem:s21], [sflag:$0x1] =	stream.indirect.gather [hbm4b:s1+s20], $0x80, s30, s20, $0xb8;
	[tilespmem:$0x1E0A0] =	vst v63  }
0x3b: {  	s30 =	simm.s32 $0x2738  }
0x3c: {  	[spmem:s3] =	stream.indirect.scatter.add.f32 [tilespmem:s23], [sflag:$0x3], $0x80, s30, s20, $0xb8;
	[tilespmem:$0x1E0A0] =	vst v63  }
0x3d: {  	_ =	swait.ge [sflag:s15], $0x1400  }
0x3e: {  	[sflag:s15] =	ssyncset.done $0x0  }
0x3f: {  	[sflag:s15] =	ssyncadd.s32 $0xFFFFEC00  }
0x40: {  	[spmem:s4] =	stream.indirect.scatter.add.f32 [tilespmem:s14], [sflag:$0x3], $0x10, s30, s20, $0xb8;
	[tilespmem:$0x1E0A0] =	vst v63  }
0x41: {  	_ =	swait.ge [sflag:s15], $0x280  }
0x42: {  	s30 =	simm.s32 $0x140;
	[sflag:s15] =	ssyncset.done $0x0  }
.LBB2_2:
0x43: {  	p0 =	sne.s32 s30, $0x99C0  }
0x44: {  	[sflag:s15] =	ssyncadd.s32 $0xFFFFFD80;
	s31 =	smov.u32 s30;
	s30 =	sadd.s32 $0x140, s30  }
0x45: {  	_ =	swait.ge [sflag:s22], $0x1400  }
0x46: {  	s31 =	sshra.s32 s31, $0x2;
	[sflag:s22] =	ssyncset.done $0x0  }
0x47: {  	s2 =	sadd.s32 $0x28, s31;
	[sflag:s22] =	ssyncadd.s32 $0xFFFFEC00  }
0x48: {  	[tilespmem:s23], [sflag:$0x2] =	stream.indirect.gather [hbm4b:s1+s20], $0x80, s2, s20, $0xb8;
	[tilespmem:$0x1E0A0] =	vst v63  }
0x49: {  	s2 =	sadd.s32 $0x2710, s31  }
0x4a: {  	[spmem:s3] =	stream.indirect.scatter.add.f32 [tilespmem:s21], [sflag:$0x3], $0x80, s2, s20, $0xb8;
	[tilespmem:$0x1E0A0] =	vst v63  }
0x4b: {  	_ =	swait.ge [sflag:s15], $0x1400  }
0x4c: {  	[sflag:s15] =	ssyncset.done $0x0  }
0x4d: {  	[sflag:s15] =	ssyncadd.s32 $0xFFFFEC00  }
0x4e: {  	[spmem:s4] =	stream.indirect.scatter.add.f32 [tilespmem:s14], [sflag:$0x3], $0x10, s2, s20, $0xb8;
	[tilespmem:$0x1E0A0] =	vst v63  }
0x4f: {  	_ =	swait.ge [sflag:s15], $0x280  }
0x50: {  	[sflag:s15] =	ssyncset.done $0x0  }
0x51: {  	[sflag:s15] =	ssyncadd.s32 $0xFFFFFD80  }
0x52: {  	_ =	swait.ge [sflag:s24], $0x1400  }
0x53: {  	[sflag:s24] =	ssyncset.done $0x0  }
0x54: {  	s2 =	sadd.s32 $0x50, s31;
	[sflag:s24] =	ssyncadd.s32 $0xFFFFEC00  }
0x55: {  	[tilespmem:s21], [sflag:$0x1] =	stream.indirect.gather [hbm4b:s1+s20], $0x80, s2, s20, $0xb8;
	[tilespmem:$0x1E0A0] =	vst v63  }
0x56: {  	s2 =	sadd.s32 $0x2738, s31  }
0x57: {  	[spmem:s3] =	stream.indirect.scatter.add.f32 [tilespmem:s23], [sflag:$0x3], $0x80, s2, s20, $0xb8;
	[tilespmem:$0x1E0A0] =	vst v63  }
0x58: {  	_ =	swait.ge [sflag:s15], $0x1400  }
.Ltmp0:
0x59: {  	[sflag:s15] =	ssyncset.done $0x0;
	(pc) =	sbr.rel @p0 .LBB2_2-.Ltmp0, $4  }
0x5a: {  	[sflag:s15] =	ssyncadd.s32 $0xFFFFEC00  }
0x5b: {  	[spmem:s4] =	stream.indirect.scatter.add.f32 [tilespmem:s14], [sflag:$0x3], $0x10, s2, s20, $0xb8;
	[tilespmem:$0x1E0A0] =	vst v63  }
0x5c: {  	_ =	swait.ge [sflag:s15], $0x280  }
0x5d: {  	[sflag:s15] =	ssyncset.done $0x0  }
0x5e: {  	[sflag:s15] =	ssyncadd.s32 $0xFFFFFD80  }
0x5f: {  	_ =	swait.ge [sflag:s22], $0x1400  }
0x60: {  	[sflag:s22] =	ssyncset.done $0x0  }
0x61: {  	[sflag:s22] =	ssyncadd.s32 $0xFFFFEC00  }
0x62: {  	[tilespmem:s23], [sflag:$0x2] =	stream.indirect.gather [hbm4b:s1+s20], $0x80, s25, s20, $0xb8;
	[tilespmem:$0x1E0A0] =	vst v63  }
0x63: {  	_ = 	snop  }
0x64: {  	[spmem:s3] =	stream.indirect.scatter.add.f32 [tilespmem:s21], [sflag:$0x3], $0x80, s26, s20, $0xb8;
	[tilespmem:$0x1E0A0] =	vst v63  }
0x65: {  	_ =	swait.ge [sflag:s15], $0x1400  }
0x66: {  	[sflag:s15] =	ssyncset.done $0x0  }
0x67: {  	[sflag:s15] =	ssyncadd.s32 $0xFFFFEC00  }
0x68: {  	[spmem:s4] =	stream.indirect.scatter.add.f32 [tilespmem:s14], [sflag:$0x3], $0x10, s26, s20, $0xb8;
	[tilespmem:$0x1E0A0] =	vst v63  }
0x69: {  	_ =	swait.ge [sflag:s15], $0x280  }
0x6a: {  	[sflag:s15] =	ssyncset.done $0x0  }
0x6b: {  	[sflag:s15] =	ssyncadd.s32 $0xFFFFFD80  }
0x6c: {  	_ =	swait.ge [sflag:s24], $0x1400  }
0x6d: {  	[sflag:s24] =	ssyncset.done $0x0  }
0x6e: {  	[sflag:s24] =	ssyncadd.s32 $0xFFFFEC00  }
0x6f: {  	[spmem:s3] =	stream.indirect.scatter.add.f32 [tilespmem:s23], [sflag:$0x3], $0x80, s28, s20, $0xb8;
	[tilespmem:$0x1E0A0] =	vst v63  }
0x70: {  	_ =	swait.ge [sflag:s15], $0x1400  }
0x71: {  	[sflag:s15] =	ssyncset.done $0x0  }
0x72: {  	[sflag:s15] =	ssyncadd.s32 $0xFFFFEC00  }
0x73: {  	[spmem:s4] =	stream.indirect.scatter.add.f32 [tilespmem:s14], [sflag:$0x3], $0x10, s28, s20, $0xb8;
	[tilespmem:$0x1E0A0] =	vst v63  }
0x74: {  	_ =	swait.ge [sflag:s15], $0x280  }
0x75: {  	[sflag:s15] =	ssyncset.done $0x0  }
0x76: {  	[sflag:s15] =	ssyncadd.s32 $0xFFFFFD80  }
0x77: {  	[bflag:$0x0] =	sbarrier.arrive $0xFFFF  }
0x78: {  	[hbm:s11], [sflag:s16] =	dma.local [spmem:s17], $0x2800  }
0x79: {  	s29 =	sadd.s32 $0x1, s29;
	_ =	swait.ge [sflag:s15], $0x2800  }
0x7a: {  	p0 =	sne.s32 s29, s13;
	[sflag:s15] =	ssyncset.done $0x0  }
.Ltmp1:
0x7b: {  	[sflag:s15] =	ssyncadd.s32 $0xFFFFD800;
	(pc) =	sbr.rel @p0 .LBB2_1-.Ltmp1, $4  }
0x7c: {  	[hbm:s12], [sflag:s16] =	dma.local [spmem:s18], $0x500  }
0x7d: {  	_ =	swait.ge [sflag:s15], $0x500  }
0x7e: {  	[sflag:s15] =	ssyncset.done $0x0  }
0x7f: {  	[sflag:s15] =	ssyncadd.s32 $0xFFFFFB00  }
0x80: {  	_ =	sfence.sel $0x180000  }
0x81: {  	[bflag:$0x0] =	sbarrier.arrive $0xFFFF  }
0x82: {  	_ =	strace $0x9000004A  }
0x83: {  	[bflag:$0x2] =	sbarrier.arrive $0xFFFF  }
0x84: {  	p0 =	sne.s32 s0, $0x0;
	s0 =	rddreg [dreg:$0x4]  }
0x85: {  	s0 =	sadd.s32 @!p0 $0x100000, s0  }
0x86: {  	[sflag:s0] =	ssyncadd.tile.s32 @!p0 $0x1;
	_ =	shalt  }
.Lfunc_end2:
_tile_overlayer_lowered:
.L_overlay_start_2:
0x87: {  	(tag) =	ssettag $0x2  }
0x88: {  	s0 =	rddreg [dreg:$0x0];
	s2 =	stileid.u32  }
0x89: {  	s1 =	rddreg [dreg:$0x1];
	p0 =	sne.s32 s2, $0x0  }
0x8a: {  	s3 =	rddreg [dreg:$0x2];
	[bflag:$0x3] =	sbarrier.arrive $0xFFFF;
	s2 =	simm.s32 @!p0 $0x1C03  }
0x8b: {  	[timem:s3], [sflag:s2] =	dma.local @!p0 [hbm:s0], s1  }
0x8c: {  	s0 =	simm.s32 @!p0 $0x3  }
0x8d: {  	_ =	swait.ge @!p0 [sflag:s0], s1  }
0x8e: {  	s1 =	ssub.s32 @!p0 $0x0, s1;
	[sflag:s0] =	ssyncset.done @!p0 $0x0  }
0x8f: {  	[sflag:s0] =	ssyncadd.s32 @!p0 s1  }
0x90: {  	[bflag:$0x3] =	sbarrier.arrive $0xFFFF  }
0x91: {  	_ =	shalt  }

// kernel: kernel.7.cloned.1.call-start
scs
__scs_entry_jumppad:
0x0: {  	(pc) =	sbr.rel $0x88, $3  }
0x1: {  	(tag) =	ssettag $0x0;
	lr =	simm.s32 $0x1  }
0x2: {  	[smem:$0x3F91] =	sst lr;
	_ =	strace $0xD0000000  }
0x3: {  	_ = 	snop  }
0x4: {  	_ = 	snop  }
0x5: {  	_ = 	snop  }
0x6: {  	_ = 	snop  }
0x7: {  	_ = 	snop  }
__scs_overlays_trampoline_lowered:
0x8: {  	[smem:$0x3FA0] =	sst s0  }
0x9: {  	[smem:$0x3FA1] =	sst s1  }
0xa: {  	[smem:$0x3FA2] =	sst s2  }
0xb: {  	[smem:$0x3FA3] =	sst s3  }
0xc: {  	[smem:$0x3FA4] =	sst s4  }
0xd: {  	[smem:$0x3FA5] =	sst s5  }
0xe: {  	[smem:$0x3FA6] =	sst s6  }
0xf: {  	[smem:$0x3FA7] =	sst s7  }
0x10: {  	[smem:$0x3FA8] =	sst s8  }
0x11: {  	[smem:$0x3FA9] =	sst s9;
	s0 =	simm.s32 @!p0 $0x0  }
0x12: {  	s1 =	sld [smem:$0x3F8F];
	s0 =	simm.s32 @p0 $0x1  }
0x13: {  	[smem:$0x3FAA] =	sst s0;
	s0 =	simm.s32 @!p1 $0x0  }
0x14: {  	s2 =	sld [smem:$0x3F8E];
	s0 =	simm.s32 @p1 $0x1  }
0x15: {  	[smem:$0x3FAB] =	sst s0;
	s0 =	simm.s32 @!p2 $0x0  }
0x16: {  	s3 =	sld [smem:$0x3FDB];
	s0 =	simm.s32 @p2 $0x1  }
0x17: {  	s4 =	simm.s32 $0x1BF5;
	[smem:$0x3FAD] =	sst s0  }
0x18: {  	s0 =	sld [smem:$0x3F90];
	_ =	swait.ge [sflag:s4], $0x0  }
0x19: {  	s7 =	sld [smem:$0x3F91]  }
0x1a: {  	s8 =	sadd.s32 $0xFFFFE003, lr  }
0x1b: {  	s9 =	sadd.s32 $0xFFFFFEF7, lr;
	s5 =	simm.s32 $0xFFFFFFFF;
	p2 =	slt.u32 s8, $0xFFFFF086  }
0x1c: {  	p1 =	slt.u32 s9, $0xF7A;
	s5 =	simm.s32 @!p2 $0x0  }
0x1d: {  	s5 =	simm.s32 @p1 $0x1;
	p0 =	seq.s32 s7, s2  }
0x1e: {  	s7 =	smul.u32 @!p0 $0xF7A, s2;
	p2 =	seq.s32 @!p0 s5, $0x0  }
0x1f: {  	s9 =	smul.u32 $0xF7A, s1;
	s8 =	simm.s32 @!p0 $0x1BF5;
	p2 =	por !p2, p0  }
0x20: {  	[sflag:s8] =	ssyncset.s32 @!p0 $0xFFFFF086;
	s6 =	sadd.s32 @!p0 s3, s7;
	s7 =	simm.s32 @!p0 $0x108  }
0x21: {  	s3 =	sadd.s32 s3, s9;
	s6 =	sadd.s32 @!p0 $0x88, s6;
	s7 =	simm.s32 @p2 $0x1082  }
0x22: {  	[simem:s7], [sflag:s8] =	dma.local @!p0 [hbm:s6], $0xF7A  }
0x23: {  	s9 =	sor.u32 $0xD0000000, s2;
	s6 =	simm.s32 $0x108;
	_ =	swait.ge @!p0 [sflag:s8], $0x0  }
0x24: {  	s3 =	sadd.s32 $0x88, s3;
	s6 =	simm.s32 @!p1 $0x1082;
	[sflag:s4] =	ssyncset.s32 $0xFFFFF086  }
0x25: {  	[simem:s6], [sflag:s4] =	dma.local [hbm:s3], $0xF7A  }
0x26: {  	[smem:$0x3F91] =	sst s1;
	(tag) =	ssettag s2;
	_ =	strace s9  }
0x27: {  	s1 =	sld [smem:$0x3FA1]  }
0x28: {  	s2 =	sld [smem:$0x3FA2]  }
0x29: {  	s4 =	sld [smem:$0x3FA4]  }
0x2a: {  	p0 =	seq.s32 s5, $0x0;
	s5 =	sld [smem:$0x3FA5]  }
0x2b: {  	s6 =	sld [smem:$0x3FA6]  }
0x2c: {  	s7 =	sld [smem:$0x3FA7]  }
0x2d: {  	s3 =	simm.s32 $0x108;
	s8 =	sld [smem:$0x3FA8]  }
0x2e: {  	s3 =	simm.s32 @!p0 $0x1082;
	s9 =	sld [smem:$0x3FA9]  }
0x2f: {  	lr =	sadd.s32 s0, s3;
	s0 =	sld [smem:$0x3FA0]  }
0x30: {  	s3 =	sld [smem:$0x3FA3]  }
0x31: {  	[smem:$0x3FAC] =	sst s10  }
0x32: {  	s10 =	sld [smem:$0x3FAA];
	_ =	sdelay $0x3  }
0x33: {  	p0 =	seq.s32 s10, $0x1;
	s10 =	sld [smem:$0x3FAC];
	_ =	sdelay $0x3  }
0x34: {  	[smem:$0x3FAC] =	sst s10  }
0x35: {  	s10 =	sld [smem:$0x3FAB];
	_ =	sdelay $0x3  }
0x36: {  	p1 =	seq.s32 s10, $0x1;
	s10 =	sld [smem:$0x3FAC];
	_ =	sdelay $0x3  }
0x37: {  	[smem:$0x3FAC] =	sst s10  }
0x38: {  	s10 =	sld [smem:$0x3FAD]  }
0x39: {  	_ = 	snop;
	(pc) =	sbr.ind lr, $3  }
0x3a: {  	_ = 	snop  }
0x3b: {  	_ = 	snop  }
0x3c: {  	p2 =	seq.s32 s10, $0x1;
	s10 =	sld [smem:$0x3FAC]  }
0x3d: {  	_ =	shalt  }
0x3e: {  	_ =	shalt  }
0x3f: {  	_ =	shalt  }
0x40: {  	_ =	shalt  }
0x41: {  	_ =	shalt  }
0x42: {  	_ =	shalt  }
0x43: {  	_ =	shalt  }
0x44: {  	_ =	shalt  }
0x45: {  	_ =	shalt  }
0x46: {  	_ =	shalt  }
0x47: {  	_ =	shalt  }
0x48: {  	_ =	shalt  }
0x49: {  	_ =	shalt  }
0x4a: {  	_ =	shalt  }
0x4b: {  	_ =	shalt  }
0x4c: {  	_ =	shalt  }
0x4d: {  	_ =	shalt  }
0x4e: {  	_ =	shalt  }
0x4f: {  	_ =	shalt  }
0x50: {  	_ =	shalt  }
0x51: {  	_ =	shalt  }
0x52: {  	_ =	shalt  }
0x53: {  	_ =	shalt  }
0x54: {  	_ =	shalt  }
0x55: {  	_ =	shalt  }
0x56: {  	_ =	shalt  }
0x57: {  	_ =	shalt  }
0x58: {  	_ =	shalt  }
0x59: {  	_ =	shalt  }
0x5a: {  	_ =	shalt  }
0x5b: {  	_ =	shalt  }
0x5c: {  	_ =	shalt  }
0x5d: {  	_ =	shalt  }
0x5e: {  	_ =	shalt  }
0x5f: {  	_ =	shalt  }
0x60: {  	_ =	shalt  }
0x61: {  	_ =	shalt  }
0x62: {  	_ =	shalt  }
0x63: {  	_ =	shalt  }
0x64: {  	_ =	shalt  }
0x65: {  	_ =	shalt  }
0x66: {  	_ =	shalt  }
0x67: {  	_ =	shalt  }
0x68: {  	_ =	shalt  }
0x69: {  	_ =	shalt  }
0x6a: {  	_ =	shalt  }
0x6b: {  	_ =	shalt  }
0x6c: {  	_ =	shalt  }
0x6d: {  	_ =	shalt  }
0x6e: {  	_ =	shalt  }
0x6f: {  	_ =	shalt  }
0x70: {  	_ =	shalt  }
0x71: {  	_ =	shalt  }
0x72: {  	_ =	shalt  }
0x73: {  	_ =	shalt  }
0x74: {  	_ =	shalt  }
0x75: {  	_ =	shalt  }
0x76: {  	_ =	shalt  }
0x77: {  	_ =	shalt  }
0x78: {  	_ =	shalt  }
0x79: {  	_ =	shalt  }
0x7a: {  	_ =	shalt  }
0x7b: {  	_ =	shalt  }
0x7c: {  	_ =	shalt  }
0x7d: {  	_ =	shalt  }
0x7e: {  	_ =	shalt  }
0x7f: {  	_ =	shalt  }
0x80: {  	_ =	shalt  }
0x81: {  	_ =	shalt  }
0x82: {  	_ =	shalt  }
0x83: {  	_ =	shalt  }
0x84: {  	_ =	shalt  }
0x85: {  	_ =	shalt  }
0x86: {  	_ =	shalt  }
0x87: {  	_ =	shalt  }
.Lfunc_end0:
.L_simem_size_0:
called_computation_lowered:
.L_overlay_start_0:
0x88: {  	s2 =	sld [smem:$0x3FD9]  }
0x89: {  	s3 =	sld [smem:$0x3FFE];
	_ =	sdelay $0x1  }
0x8a: {  	s1 =	srdreg.scid  }
0x8b: {  	s0 =	sand.u32 $0x1, s1  }
0x8c: {  	s17 =	sshll.u32 s0, $0xA;
	s2 =	sadd.s32 s3, s2  }
0x8d: {  	s2 =	sadd.s32 s2, s17  }
0x8e: {  	[smem:$0x3FB8] =	sst s2  }
0x8f: {  	_ = 	snop  }
0x90: {  	s2 =	sld [smem:$0x3FD0];
	(tm) =	ssettm $0x1  }
0x91: {  	s18 =	sld [smem:$0x3FFB];
	_ =	sdelay $0x3  }
0x92: {  	_ =	strace s18  }
0x93: {  	s3 =	sld [smem:$0x3FFC];
	_ =	sdelay $0x3  }
0x94: {  	_ =	strace s3  }
0x95: {  	s3 =	sld [smem:$0x3FFD];
	_ =	sdelay $0x3  }
0x96: {  	_ =	strace s3  }
0x97: {  	_ =	strace $0x8FFFFFFF  }
0x98: {  	s19 =	sld [smem:$0x3FDB];
	_ =	sdelay $0x1  }
0x99: {  	s4 =	simm.s32 $_scs_section_size  }
0x9a: {  	s5 =	simm.s32 $_size__tile_overlayer_lowered;
	s6 =	simm.s32 $_tile_overlayer_lowered  }
0x9b: {  	s22 =	simm.s32 $0x1BFF;
	s21 =	sshll.u32 s6, $0x1;
	s3 =	sadd.s32 s4, s19  }
0x9c: {  	s7 =	simm.s32 $0x0;
	s20 =	sshll.u32 s5, $0x1;
	s5 =	sadd.s32 s21, s3  }
0x9d: {  	[timem:s7], [sflag:s22] =	dma.local [hbm:s5], s20  }
0x9e: {  	_ =	swait.ge [sflag:s22], s20  }
0x9f: {  	s4 =	ssub.s32 $0x0, s20;
	[sflag:s22] =	ssyncset.done $0x0  }
0xa0: {  	[sflag:s22] =	ssyncadd.s32 s4;
	_ =	sdelay $0x1  }
0xa1: {  	s23 =	simm.s32 $0x1B8B  }
0xa2: {  	_ =	swait.ge [sflag:s23], $0x1  }
0xa3: {  	[sflag:s23] =	ssyncset.done $0x0  }
0xa4: {  	s25 =	simm.s32 $0x1B8E;
	s24 =	sld [smem:$0x3FFE];
	[sflag:s23] =	ssyncadd.s32 $0xFFFFFFFF  }
0xa5: {  	s26 =	simm.s32 $execute0_lowered;
	[smem:$0x3FD2] =	sst s25  }
0xa6: {  	s5 =	sshll.u32 s26, $0x1;
	_ =	strace $0x80000046;
	[dreg:$0x1] =	wrdreg $0xFFFFFFFF  }
0xa7: {  	s28 =	simm.s32 $_size_execute0_lowered;
	s3 =	sadd.s32 s3, s5;
	[dreg:$0x0] =	wrdreg $0x0  }
0xa8: {  	s5 =	sshll.u32 s28, $0x1;
	[dreg:$0x2] =	wrdreg s3  }
0xa9: {  	[dreg:$0x3] =	wrdreg s5  }
0xaa: {  	[dreg:$0x4] =	wrdreg $0xC0  }
0xab: {  	_ =	task [dreg:s7], $0x5FFFF  }
0xac: {  	[dreg:$0x1] =	wrdreg $0xFFFFFFFF  }
0xad: {  	[dreg:$0x0] =	wrdreg $0x60  }
0xae: {  	[dreg:$0x2] =	wrdreg s2  }
0xaf: {  	[dreg:$0x3] =	wrdreg s24  }
0xb0: {  	[dreg:$0x4] =	wrdreg $0x78A00  }
0xb1: {  	[dreg:$0x5] =	wrdreg $0x1B8A00  }
0xb2: {  	[dreg:$0x6] =	wrdreg $0x9  }
0xb3: {  	_ =	task.clear_ibuf [dreg:s7], $0x7FFFF;
	_ =	strace $0x90000046  }
0xb4: {  	s29 =	simm.s32 $0x9;
	_ =	strace $0x80000048  }
0xb5: {  	_ =	swait.ge [sflag:s29], $0x1  }
0xb6: {  	[sflag:s29] =	ssyncadd.s32 $0xFFFFFFFF  }
0xb7: {  	_ =	strace $0x90000048  }
0xb8: {  	_ =	sfence  }
0xb9: {  	s30 =	sld [smem:$0x0];
	_ =	sdelay $0x2  }
0xba: {  	s31 =	sshll.u32 s1, $0xD;
	s1 =	sshrl.u32 s1, $0x2  }
0xbb: {  	s3 =	sand.u32 $0x4000, s31;
	s1 =	sadd.s32 s1, s30  }
0xbc: {  	s0 =	sor.u32 s3, s0;
	s1 =	sshll.u32 s1, $0x11  }
0xbd: {  	s0 =	sor.u32 s1, s0  }
0xbe: {  	s0 =	sadd.s32 $0x8F2B, s0  }
0xbf: {  	[sflag:s0] =	ssyncadd.remote.s32 $0x1  }
0xc0: {  	_ =	sfence.sel $0xFFFF  }
0xc1: {  	[dreg:$0x0] =	wrdreg $0xFFFFFFFF;
	(pc) =	sbr.abs _section_cstart, $3  }
0xc2: {  	[dreg:$0x1] =	wrdreg $0xFFFFFFFF  }
0xc3: {  	_ =	task.clear_ibuf [dreg:s7], $0x2FFFF;
	_ =	strace $0x9FFFFFFF  }
0xc4: {  	(tm) =	ssettm $0x7FFFFFFF  }
0xc5: {  	_ =	shalt  }
tec
execute0_lowered:
.L_overlay_start_1:
0x0: {  	(tag) =	ssettag $0x1  }
0x1: {  	s1 =	rddreg [dreg:$0x0]  }
0x2: {  	s2 =	srdreg.scid;
	s10 =	rddreg [dreg:$0x1]  }
0x3: {  	s0 =	stileid.u32;
	s3 =	rddreg [dreg:$0x2]  }
0x4: {  	s4 =	rddreg [dreg:$0x3];
	s5 =	simm.s32 $0x0;
	s19 =	simm.s32 $0x2710  }
0x5: {  	s20 =	simm.s32 $0x28;
	s21 =	simm.s32 $0x4E20;
	s22 =	simm.s32 $0x1  }
0x6: {  	s23 =	simm.s32 $0x6220;
	s24 =	simm.s32 $0x2;
	s25 =	simm.s32 $0x26E8  }
0x7: {  	s28 =	simm.s32 $0x4DF8;
	s29 =	simm.s32 $0x0;
	s9 =	sand.u32 $0x1, s2  }
0x8: {  	s26 =	sshll.u32 s0, $0x1;
	s11 =	smul.u32 $0x14000, s0;
	[smem:$0x7FF] =	sst s5  }
0x9: {  	s13 =	smul.u32 $0x2800, s0;
	s7 =	sadd.s32 $0x1A200, s10;
	s8 =	sadd.s32 $0x1A800, s10  }
0xa: {  	s31 =	sshll.u32 s0, $0x6;
	s2 =	sor.u32 s9, s26;
	s12 =	smul.u32 $0x140000, s9  }
0xb: {  	_ =	strace $0x80000047;
	s14 =	smul.u32 $0x28000, s9;
	s9 =	ssub.s32 $0x2, s9  }
0xc: {  	s26 =	simm.s32 $0x4DD0;
	s6 =	smul.u32 $0x4E2, s2;
	s30 =	sshrl.u32 s9, $0x1  }
0xd: {  	s17 =	sadd.s32 s11, s3;
	s18 =	sadd.s32 s13, s4;
	s12 =	sadd.s32 s11, s12  }
0xe: {  	s14 =	sadd.s32 s13, s14;
	s16 =	ssub.s32 s9, s30;
	s17 =	sshrl.u32 s17, $0x3  }
0xf: {  	s18 =	sshrl.u32 s18, $0x3;
	s15 =	sadd.s32 s6, s10;
	s6 =	sadd.s32 $0x17A00, s10  }
0x10: {  	s12 =	sshrl.u32 s12, $0x3;
	s14 =	sshrl.u32 s14, $0x3;
	s13 =	smax.u32 s16, $0x1  }
0x11: {  	s16 =	sor.u32 $0x1C03, s31;
	s12 =	sadd.s32 s12, s10;
	s14 =	sadd.s32 s14, s10  }
0x12: {  	s9 =	sadd.s32 $0xDC00, s15;
	s10 =	sadd.s32 $0x3E00, s15;
	s15 =	simm.s32 $0x3  }
0x13: {  	s11 =	sadd.s32 $0x24A00, s12;
	s12 =	sadd.s32 $0x1AA00, s14;
	s14 =	simm.s32 $0x7620  }
.LBB2_1:
0x14: {  	[tilespmem:s14], [sflag:$0x3] =	stream.linear.gather [hbm4b:s8+s5], $0x280, $0x38;
	[tilespmem:$0x1E0A0] =	vst v63  }
0x15: {  	_ =	swait.ge [sflag:s15], $0x280  }
0x16: {  	[sflag:s15] =	ssyncset.done $0x0  }
0x17: {  	[sflag:s15] =	ssyncadd.s32 $0xFFFFFD80  }
0x18: {  	[spmem:s17], [sflag:s16] =	dma.local [hbm:s6], $0x2800  }
0x19: {  	_ =	swait.ge [sflag:s15], $0x2800  }
0x1a: {  	[sflag:s15] =	ssyncset.done $0x0  }
0x1b: {  	[sflag:s15] =	ssyncadd.s32 $0xFFFFD800  }
0x1c: {  	[spmem:s18], [sflag:s16] =	dma.local [hbm:s7], $0x500  }
0x1d: {  	_ =	swait.ge [sflag:s15], $0x500  }
0x1e: {  	[sflag:s15] =	ssyncset.done $0x0  }
0x1f: {  	[sflag:s15] =	ssyncadd.s32 $0xFFFFFB00  }
0x20: {  	[bflag:$0x0] =	sbarrier.arrive $0xFFFF  }
0x21: {  	[tilespmem:s5], [sflag:$0x3] =	stream.linear.gather [hbm4b:s9+s5], $0x2710, $0x38;
	[tilespmem:$0x1E0A0] =	vst v63  }
0x22: {  	_ =	swait.ge [sflag:s15], $0x2710  }
0x23: {  	[sflag:s15] =	ssyncset.done $0x0  }
0x24: {  	[sflag:s15] =	ssyncadd.s32 $0xFFFFD8F0  }
0x25: {  	[tilespmem:s19], [sflag:$0x3] =	stream.linear.gather [hbm4b:s10+s5], $0x2710, $0x38;
	[tilespmem:$0x1E0A0] =	vst v63  }
0x26: {  	_ =	swait.ge [sflag:s15], $0x2710  }
0x27: {  	[sflag:s15] =	ssyncset.done $0x0  }
0x28: {  	[sflag:s15] =	ssyncadd.s32 $0xFFFFD8F0  }
0x29: {  	[tilespmem:s21], [sflag:$0x1] =	stream.indirect.gather [hbm4b:s1+s20], $0x80, s5, s20, $0xb8;
	[tilespmem:$0x1E0A0] =	vst v63  }
0x2a: {  	_ =	swait.ge [sflag:s22], $0x1400  }
0x2b: {  	[sflag:s22] =	ssyncset.done $0x0  }
0x2c: {  	s30 =	simm.s32 $0x28;
	[sflag:s22] =	ssyncadd.s32 $0xFFFFEC00  }
0x2d: {  	[tilespmem:s23], [sflag:$0x2] =	stream.indirect.gather [hbm4b:s1+s20], $0x80, s30, s20, $0xb8;
	[tilespmem:$0x1E0A0] =	vst v63  }
0x2e: {  	s30 =	simm.s32 $0x2710  }
0x2f: {  	[spmem:s3] =	stream.indirect.scatter.add.f32 [tilespmem:s21], [sflag:$0x3], $0x80, s30, s20, $0xb8;
	[tilespmem:$0x1E0A0] =	vst v63  }
0x30: {  	_ =	swait.ge [sflag:s15], $0x1400  }
0x31: {  	[sflag:s15] =	ssyncset.done $0x0  }
0x32: {  	[sflag:s15] =	ssyncadd.s32 $0xFFFFEC00  }
0x33: {  	[spmem:s4] =	stream.indirect.scatter.add.f32 [tilespmem:s14], [sflag:$0x3], $0x10, s30, s20, $0xb8;
	[tilespmem:$0x1E0A0] =	vst v63  }
0x34: {  	_ =	swait.ge [sflag:s15], $0x280  }
0x35: {  	[sflag:s15] =	ssyncset.done $0x0  }
0x36: {  	[sflag:s15] =	ssyncadd.s32 $0xFFFFFD80  }
0x37: {  	_ =	swait.ge [sflag:s24], $0x1400  }
0x38: {  	[sflag:s24] =	ssyncset.done $0x0  }
0x39: {  	s30 =	simm.s32 $0x50;
	[sflag:s24] =	ssyncadd.s32 $0xFFFFEC00  }
0x3a: {  	[tilespmem:s21], [sflag:$0x1] =	stream.indirect.gather [hbm4b:s1+s20], $0x80, s30, s20, $0xb8;
	[tilespmem:$0x1E0A0] =	vst v63  }
0x3b: {  	s30 =	simm.s32 $0x2738  }
0x3c: {  	[spmem:s3] =	stream.indirect.scatter.add.f32 [tilespmem:s23], [sflag:$0x3], $0x80, s30, s20, $0xb8;
	[tilespmem:$0x1E0A0] =	vst v63  }
0x3d: {  	_ =	swait.ge [sflag:s15], $0x1400  }
0x3e: {  	[sflag:s15] =	ssyncset.done $0x0  }
0x3f: {  	[sflag:s15] =	ssyncadd.s32 $0xFFFFEC00  }
0x40: {  	[spmem:s4] =	stream.indirect.scatter.add.f32 [tilespmem:s14], [sflag:$0x3], $0x10, s30, s20, $0xb8;
	[tilespmem:$0x1E0A0] =	vst v63  }
0x41: {  	_ =	swait.ge [sflag:s15], $0x280  }
0x42: {  	s30 =	simm.s32 $0x140;
	[sflag:s15] =	ssyncset.done $0x0  }
.LBB2_2:
0x43: {  	p0 =	sne.s32 s30, $0x99C0  }
0x44: {  	[sflag:s15] =	ssyncadd.s32 $0xFFFFFD80;
	s31 =	smov.u32 s30;
	s30 =	sadd.s32 $0x140, s30  }
0x45: {  	_ =	swait.ge [sflag:s22], $0x1400  }
0x46: {  	s31 =	sshra.s32 s31, $0x2;
	[sflag:s22] =	ssyncset.done $0x0  }
0x47: {  	s2 =	sadd.s32 $0x28, s31;
	[sflag:s22] =	ssyncadd.s32 $0xFFFFEC00  }
0x48: {  	[tilespmem:s23], [sflag:$0x2] =	stream.indirect.gather [hbm4b:s1+s20], $0x80, s2, s20, $0xb8;
	[tilespmem:$0x1E0A0] =	vst v63  }
0x49: {  	s2 =	sadd.s32 $0x2710, s31  }
0x4a: {  	[spmem:s3] =	stream.indirect.scatter.add.f32 [tilespmem:s21], [sflag:$0x3], $0x80, s2, s20, $0xb8;
	[tilespmem:$0x1E0A0] =	vst v63  }
0x4b: {  	_ =	swait.ge [sflag:s15], $0x1400  }
0x4c: {  	[sflag:s15] =	ssyncset.done $0x0  }
0x4d: {  	[sflag:s15] =	ssyncadd.s32 $0xFFFFEC00  }
0x4e: {  	[spmem:s4] =	stream.indirect.scatter.add.f32 [tilespmem:s14], [sflag:$0x3], $0x10, s2, s20, $0xb8;
	[tilespmem:$0x1E0A0] =	vst v63  }
0x4f: {  	_ =	swait.ge [sflag:s15], $0x280  }
0x50: {  	[sflag:s15] =	ssyncset.done $0x0  }
0x51: {  	[sflag:s15] =	ssyncadd.s32 $0xFFFFFD80  }
0x52: {  	_ =	swait.ge [sflag:s24], $0x1400  }
0x53: {  	[sflag:s24] =	ssyncset.done $0x0  }
0x54: {  	s2 =	sadd.s32 $0x50, s31;
	[sflag:s24] =	ssyncadd.s32 $0xFFFFEC00  }
0x55: {  	[tilespmem:s21], [sflag:$0x1] =	stream.indirect.gather [hbm4b:s1+s20], $0x80, s2, s20, $0xb8;
	[tilespmem:$0x1E0A0] =	vst v63  }
0x56: {  	s2 =	sadd.s32 $0x2738, s31  }
0x57: {  	[spmem:s3] =	stream.indirect.scatter.add.f32 [tilespmem:s23], [sflag:$0x3], $0x80, s2, s20, $0xb8;
	[tilespmem:$0x1E0A0] =	vst v63  }
0x58: {  	_ =	swait.ge [sflag:s15], $0x1400  }
.Ltmp0:
0x59: {  	[sflag:s15] =	ssyncset.done $0x0;
	(pc) =	sbr.rel @p0 .LBB2_2-.Ltmp0, $4  }
0x5a: {  	[sflag:s15] =	ssyncadd.s32 $0xFFFFEC00  }
0x5b: {  	[spmem:s4] =	stream.indirect.scatter.add.f32 [tilespmem:s14], [sflag:$0x3], $0x10, s2, s20, $0xb8;
	[tilespmem:$0x1E0A0] =	vst v63  }
0x5c: {  	_ =	swait.ge [sflag:s15], $0x280  }
0x5d: {  	[sflag:s15] =	ssyncset.done $0x0  }
0x5e: {  	[sflag:s15] =	ssyncadd.s32 $0xFFFFFD80  }
0x5f: {  	_ =	swait.ge [sflag:s22], $0x1400  }
0x60: {  	[sflag:s22] =	ssyncset.done $0x0  }
0x61: {  	[sflag:s22] =	ssyncadd.s32 $0xFFFFEC00  }
0x62: {  	[tilespmem:s23], [sflag:$0x2] =	stream.indirect.gather [hbm4b:s1+s20], $0x80, s25, s20, $0xb8;
	[tilespmem:$0x1E0A0] =	vst v63  }
0x63: {  	_ = 	snop  }
0x64: {  	[spmem:s3] =	stream.indirect.scatter.add.f32 [tilespmem:s21], [sflag:$0x3], $0x80, s26, s20, $0xb8;
	[tilespmem:$0x1E0A0] =	vst v63  }
0x65: {  	_ =	swait.ge [sflag:s15], $0x1400  }
0x66: {  	[sflag:s15] =	ssyncset.done $0x0  }
0x67: {  	[sflag:s15] =	ssyncadd.s32 $0xFFFFEC00  }
0x68: {  	[spmem:s4] =	stream.indirect.scatter.add.f32 [tilespmem:s14], [sflag:$0x3], $0x10, s26, s20, $0xb8;
	[tilespmem:$0x1E0A0] =	vst v63  }
0x69: {  	_ =	swait.ge [sflag:s15], $0x280  }
0x6a: {  	[sflag:s15] =	ssyncset.done $0x0  }
0x6b: {  	[sflag:s15] =	ssyncadd.s32 $0xFFFFFD80  }
0x6c: {  	_ =	swait.ge [sflag:s24], $0x1400  }
0x6d: {  	[sflag:s24] =	ssyncset.done $0x0  }
0x6e: {  	[sflag:s24] =	ssyncadd.s32 $0xFFFFEC00  }
0x6f: {  	[spmem:s3] =	stream.indirect.scatter.add.f32 [tilespmem:s23], [sflag:$0x3], $0x80, s28, s20, $0xb8;
	[tilespmem:$0x1E0A0] =	vst v63  }
0x70: {  	_ =	swait.ge [sflag:s15], $0x1400  }
0x71: {  	[sflag:s15] =	ssyncset.done $0x0  }
0x72: {  	[sflag:s15] =	ssyncadd.s32 $0xFFFFEC00  }
0x73: {  	[spmem:s4] =	stream.indirect.scatter.add.f32 [tilespmem:s14], [sflag:$0x3], $0x10, s28, s20, $0xb8;
	[tilespmem:$0x1E0A0] =	vst v63  }
0x74: {  	_ =	swait.ge [sflag:s15], $0x280  }
0x75: {  	[sflag:s15] =	ssyncset.done $0x0  }
0x76: {  	[sflag:s15] =	ssyncadd.s32 $0xFFFFFD80  }
0x77: {  	[bflag:$0x0] =	sbarrier.arrive $0xFFFF  }
0x78: {  	[hbm:s11], [sflag:s16] =	dma.local [spmem:s17], $0x2800  }
0x79: {  	s29 =	sadd.s32 $0x1, s29;
	_ =	swait.ge [sflag:s15], $0x2800  }
0x7a: {  	p0 =	sne.s32 s29, s13;
	[sflag:s15] =	ssyncset.done $0x0  }
.Ltmp1:
0x7b: {  	[sflag:s15] =	ssyncadd.s32 $0xFFFFD800;
	(pc) =	sbr.rel @p0 .LBB2_1-.Ltmp1, $4  }
0x7c: {  	[hbm:s12], [sflag:s16] =	dma.local [spmem:s18], $0x500  }
0x7d: {  	_ =	swait.ge [sflag:s15], $0x500  }
0x7e: {  	[sflag:s15] =	ssyncset.done $0x0  }
0x7f: {  	[sflag:s15] =	ssyncadd.s32 $0xFFFFFB00  }
0x80: {  	_ =	sfence.sel $0x180000  }
0x81: {  	[bflag:$0x0] =	sbarrier.arrive $0xFFFF  }
0x82: {  	_ =	strace $0x90000047  }
0x83: {  	[bflag:$0x2] =	sbarrier.arrive $0xFFFF  }
0x84: {  	p0 =	sne.s32 s0, $0x0;
	s0 =	rddreg [dreg:$0x4]  }
0x85: {  	s0 =	sadd.s32 @!p0 $0x100000, s0  }
0x86: {  	[sflag:s0] =	ssyncadd.tile.s32 @!p0 $0x1;
	_ =	shalt  }
.Lfunc_end2:
_tile_overlayer_lowered:
.L_overlay_start_2:
0x87: {  	(tag) =	ssettag $0x2  }
0x88: {  	s0 =	rddreg [dreg:$0x0];
	s2 =	stileid.u32  }
0x89: {  	s1 =	rddreg [dreg:$0x1];
	p0 =	sne.s32 s2, $0x0  }
0x8a: {  	s3 =	rddreg [dreg:$0x2];
	[bflag:$0x3] =	sbarrier.arrive $0xFFFF;
	s2 =	simm.s32 @!p0 $0x1C03  }
0x8b: {  	[timem:s3], [sflag:s2] =	dma.local @!p0 [hbm:s0], s1  }
0x8c: {  	s0 =	simm.s32 @!p0 $0x3  }
0x8d: {  	_ =	swait.ge @!p0 [sflag:s0], s1  }
0x8e: {  	s1 =	ssub.s32 @!p0 $0x0, s1;
	[sflag:s0] =	ssyncset.done @!p0 $0x0  }
0x8f: {  	[sflag:s0] =	ssyncadd.s32 @!p0 s1  }
0x90: {  	[bflag:$0x3] =	sbarrier.arrive $0xFFFF  }
0x91: {  	_ =	shalt  }

</sc_bundles>
